<compile_context>
chip_gen: v7x
topology: tpu7x:2x2x1
jax: 0.10.2.dev20260603
libtpu: 0.0.44.dev20260713+nightly
codegen_flags: <defaults>
</compile_context>

<pallas_src>
import functools

import numpy as np
import jax
import jax.numpy as jnp
from jax import lax
from jax.experimental import pallas as pl
from jax.experimental.pallas import tpu as pltpu
from jax.experimental.pallas import tpu_sc as plsc

N = 10000
D = 128
E = 320000
NC = 2
NS = 16
NW = NC * NS
NPAD = 10240
RPT = NPAD // NS
K = 125
NCHUNK = (E // NW) // K
G = 40
DEG_W = 128

ALPHA = 0.5
BETA1 = float(np.log(2.0))
BETA2 = float(np.log(1.5))



@functools.cache
def _sc_kernels():
    mesh = plsc.VectorSubcoreMesh(
        core_axis_name="c", subcore_axis_name="s", num_cores=NC, num_subcores=NS
    )

    @functools.partial(
        pl.kernel,
        out_type=jax.ShapeDtypeStruct((NC, NPAD, DEG_W), jnp.float32),
        mesh=mesh,
        scratch_types=[
            pltpu.VMEM((G, K), jnp.int32),
            pltpu.VMEM((K, DEG_W), jnp.float32),
            pltpu.VMEM_SHARED((NPAD, DEG_W), jnp.float32),
            pltpu.SemaphoreType.DMA,
        ],
    )
    def deg_call(dst3, ones_hbm, zeros_hbm, out, dst_v, ones_v, acc, ssem):
        cid = lax.axis_index("c")
        sid = lax.axis_index("s")
        wid = sid * NC + cid
        pltpu.sync_copy(zeros_hbm, acc.at[pl.ds(sid * RPT, RPT)])
        pltpu.sync_copy(ones_hbm, ones_v)
        plsc.subcore_barrier()

        def group(jg, c):
            pltpu.sync_copy(dst3.at[wid, pl.ds(jg * G, G)], dst_v)

            def fire(r, c2):
                pltpu.async_copy(ones_v, acc.at[dst_v.at[r]], ssem, add=True)
                return c2

            lax.fori_loop(0, G, fire, c)

            def drain(r, c2):
                pltpu.make_async_copy(ones_v, acc.at[dst_v.at[r]], ssem).wait()
                return c2

            return lax.fori_loop(0, G, drain, c)

        lax.fori_loop(0, NCHUNK // G, group, 0)
        plsc.subcore_barrier()
        pltpu.sync_copy(acc.at[pl.ds(sid * RPT, RPT)],
                        out.at[cid, pl.ds(sid * RPT, RPT)])

    @functools.partial(
        pl.kernel,
        out_type=jax.ShapeDtypeStruct((NC, NPAD, D), jnp.float32),
        mesh=mesh,
        scratch_types=[
            pltpu.VMEM((G, K), jnp.int32),
            pltpu.VMEM((G, K), jnp.int32),
            pltpu.VMEM((K, D), jnp.float32),
            pltpu.VMEM((K, D), jnp.float32),
            pltpu.VMEM_SHARED((NPAD, D), jnp.float32),
            pltpu.SemaphoreType.DMA,
            pltpu.SemaphoreType.DMA,
        ],
    )
    def prop_call(src3, dst3, g_hbm, zeros_hbm, out,
                  src_v, dst_v, buf0, buf1, acc, sem0, sem1):
        cid = lax.axis_index("c")
        sid = lax.axis_index("s")
        wid = sid * NC + cid
        pltpu.sync_copy(zeros_hbm, acc.at[pl.ds(sid * RPT, RPT)])
        plsc.subcore_barrier()

        def group(jg, c):
            pltpu.sync_copy(src3.at[wid, pl.ds(jg * G, G)], src_v)
            pltpu.sync_copy(dst3.at[wid, pl.ds(jg * G, G)], dst_v)
            pltpu.async_copy(g_hbm.at[src_v.at[0]], buf0, sem0)
            pltpu.async_copy(g_hbm.at[src_v.at[1]], buf1, sem1)

            def step(r2, c2):
                r = 2 * r2
                pltpu.make_async_copy(g_hbm.at[src_v.at[r]], buf0, sem0).wait()
                pltpu.sync_copy(buf0, acc.at[dst_v.at[r]], add=True)

                @pl.when(r + 2 < G)
                def _():
                    pltpu.async_copy(g_hbm.at[src_v.at[r + 2]], buf0, sem0)

                pltpu.make_async_copy(g_hbm.at[src_v.at[r + 1]], buf1, sem1).wait()
                pltpu.sync_copy(buf1, acc.at[dst_v.at[r + 1]], add=True)

                @pl.when(r + 3 < G)
                def _():
                    pltpu.async_copy(g_hbm.at[src_v.at[r + 3]], buf1, sem1)

                return c2

            return lax.fori_loop(0, G // 2, step, c)

        lax.fori_loop(0, NCHUNK // G, group, 0)
        plsc.subcore_barrier()
        pltpu.sync_copy(acc.at[pl.ds(sid * RPT, RPT)],
                        out.at[cid, pl.ds(sid * RPT, RPT)])

    return deg_call, prop_call



R = 1000


def _dinv_block(deg_ref):
    deg = deg_ref[0, :, :1] + deg_ref[1, :, :1] + 1.0
    return lax.rsqrt(deg)


def _prologue_body(x_ref, w1_ref, b1_ref, deg_ref, x0_ref, g1_ref):
    x0 = jnp.dot(x_ref[...], w1_ref[...],
                 preferred_element_type=jnp.float32) + b1_ref[...]
    x0_ref[...] = x0
    g1_ref[...] = x0 * _dinv_block(deg_ref)


def _layer_body(beta, final, agg_ref, gin_ref, x0_ref, deg_ref, wc_ref, *rest):
    dinv = _dinv_block(deg_ref)
    agg = (agg_ref[0] + agg_ref[1] + gin_ref[...]) * dinv
    z = (1.0 - ALPHA) * agg + ALPHA * x0_ref[...]
    h = (1.0 - beta) * z + beta * jnp.dot(
        z, wc_ref[...], preferred_element_type=jnp.float32)
    h = jnp.maximum(h, 0.0)
    if final:
        w2_ref, b2_ref, out_ref = rest
        out_ref[...] = jnp.dot(
            h, w2_ref[...], preferred_element_type=jnp.float32) + b2_ref[...]
    else:
        (gout_ref,) = rest
        gout_ref[...] = h * dinv


_row_spec = pl.BlockSpec((R, D), lambda i: (i, 0))
_mat_spec = pl.BlockSpec((D, D), lambda i: (0, 0))
_bias_spec = pl.BlockSpec((1, D), lambda i: (0, 0))
_deg_spec = pl.BlockSpec((2, R, DEG_W), lambda i: (0, i, 0))
_agg_spec = pl.BlockSpec((2, R, D), lambda i: (0, i, 0))

_prologue = pl.pallas_call(
    _prologue_body,
    grid=(N // R,),
    in_specs=[_row_spec, _mat_spec, _bias_spec, _deg_spec],
    out_specs=[_row_spec, _row_spec],
    out_shape=[jax.ShapeDtypeStruct((N, D), jnp.float32)] * 2,
)

_layer1 = pl.pallas_call(
    functools.partial(_layer_body, BETA1, False),
    grid=(N // R,),
    in_specs=[_agg_spec, _row_spec, _row_spec, _deg_spec, _mat_spec],
    out_specs=_row_spec,
    out_shape=jax.ShapeDtypeStruct((N, D), jnp.float32),
)

_layer2 = pl.pallas_call(
    functools.partial(_layer_body, BETA2, True),
    grid=(N // R,),
    in_specs=[_agg_spec, _row_spec, _row_spec, _deg_spec, _mat_spec,
              _mat_spec, _bias_spec],
    out_specs=_row_spec,
    out_shape=jax.ShapeDtypeStruct((N, D), jnp.float32),
)


def kernel(x, edge_index, W1, b1, Wc1, Wc2, W2, b2):
    src3 = edge_index[0].reshape(NW, NCHUNK, K)
    dst3 = edge_index[1].reshape(NW, NCHUNK, K)
    ones_deg = jnp.ones((K, DEG_W), jnp.float32)
    zeros_deg = jnp.zeros((RPT, DEG_W), jnp.float32)
    zeros_rows = jnp.zeros((RPT, D), jnp.float32)

    deg_call, prop_call = _sc_kernels()
    deg2 = deg_call(dst3, ones_deg, zeros_deg)
    x0, g1 = _prologue(x, W1, b1.reshape(1, D), deg2)
    agg1 = prop_call(src3, dst3, g1, zeros_rows)
    g2 = _layer1(agg1, g1, x0, deg2, Wc1)
    agg2 = prop_call(src3, dst3, g2, zeros_rows)
    logits = _layer2(agg2, g2, x0, deg2, Wc2, W2, b2.reshape(1, D))
    return logits

# --- scband reference (transcript-rebuilt; emitter-appended) ---
"""Pipeline reference for scband-gcn2-net-69002944578216 (READ-ONLY COPY).

The authoritative reference and input builder live on the scoring server;
editing this copy changes nothing except your own understanding.
"""

import jax, jax.numpy as jnp
import numpy as np

ALPHA = 0.5
LAM = 1.0
N_NODES = 10000
D = 128
N_EDGES = 320000

def setup_inputs(seed: int = 0) -> dict:
    key = jax.random.key(seed)
    ks = jax.random.split(key, 9)
    s = 1.0 / np.sqrt(D)
    x = jax.random.normal(ks[0], (N_NODES, D), dtype=jnp.float32)
    edge_index = jax.random.randint(ks[1], (2, N_EDGES), 0, N_NODES, dtype=jnp.int32)
    W1 = jax.random.normal(ks[2], (D, D), dtype=jnp.float32) * s
    b1 = jnp.zeros((D,), dtype=jnp.float32)
    Wc1 = jax.random.normal(ks[3], (D, D), dtype=jnp.float32) * s
    Wc2 = jax.random.normal(ks[4], (D, D), dtype=jnp.float32) * s
    W2 = jax.random.normal(ks[5], (D, D), dtype=jnp.float32) * s
    b2 = jnp.zeros((D,), dtype=jnp.float32)
    return {"x": x, "edge_index": edge_index, "W1": W1, "b1": b1, "Wc1": Wc1, "Wc2": Wc2, "W2": W2, "b2": b2}

def reference(x, edge_index, W1, b1, Wc1, Wc2, W2, b2):
    N = x.shape[0]
    src, dst = edge_index[0], edge_index[1]
    # GCN normalization with self-loops: A_hat = D^{-1/2}(A+I)D^{-1/2}
    loop = jnp.arange(N, dtype=src.dtype)
    src_f = jnp.concatenate([src, loop])
    dst_f = jnp.concatenate([dst, loop])
    deg = jax.ops.segment_sum(jnp.ones_like(src_f, dtype=x.dtype), dst_f, num_segments=N)
    dinv = jnp.where(deg > 0, jax.lax.rsqrt(deg), 0.0)
    norm = dinv[src_f] * dinv[dst_f]

    def prop(h):
        msg = h[src_f] * norm[:, None]
        return jax.ops.segment_sum(msg, dst_f, num_segments=N)

    # x0 = linear1(x)
    x0 = x @ W1 + b1
    h = x0
    # two GCN2Conv (GCNII) layers: h' = (1-beta)*z + beta*(z @ W), z = (1-alpha)*Ahat h + alpha*x0
    for l, Wc in enumerate((Wc1, Wc2), start=1):
        beta = float(np.log(LAM / l + 1.0))
        agg = prop(h)
        z = (1.0 - ALPHA) * agg + ALPHA * x0
        h = (1.0 - beta) * z + beta * (z @ Wc)
        h = jax.nn.relu(h)
        # dropout is identity in eval mode
    logits = h @ W2 + b2
    return logits

if __name__ == "__main__":
    import jax
    _d = setup_inputs()
    print(jax.jit(kernel)(*tuple(_d.values())))

</pallas_src>

<mosaic_0001>
#map = affine_map<(d0, d1) -> (0, 0, 0)>
#map1 = affine_map<(d0, d1) -> (0, 0)>
module attributes {stable_mosaic.version = 14 : i64} {
  func.func @deg_call(%arg0: i32, %arg1: i32, %arg2: memref<32x80x125xi32, #tpu.memory_space<hbm>>, %arg3: memref<125x128xf32, #tpu.memory_space<hbm>>, %arg4: memref<640x128xf32, #tpu.memory_space<hbm>>, %arg5: memref<2x10240x128xf32, #tpu.memory_space<hbm>>, %arg6: memref<40x125xi32, #tpu.memory_space<vmem>>, %arg7: memref<125x128xf32, #tpu.memory_space<vmem>>, %arg8: memref<10240x128xf32, #tpu.memory_space<vmem_shared>>, %arg9: memref<!tpu.dma_semaphore, #tpu.memory_space<semaphore_mem>>) attributes {dimension_semantics = [#tpu.dimension_semantics<core_parallel>, #tpu.dimension_semantics<subcore_parallel>], iteration_bounds = array<i64: 2, 16>, scalar_prefetch = 0 : i64, scratch_operands = 4 : i64, tpu.core_type = #tpu.core_type<sc_vector_subcore>, window_params = [{transform_indices = #map}, {transform_indices = #map1}, {transform_indices = #map1}, {transform_indices = #map}]} {
    %mul3A = arith.constant 2 : i32
    %mul3A_0 = arith.muli %arg1, %mul3A : i32
    %add3A = arith.addi %mul3A_0, %arg0 : i32
    %mul3A_1 = arith.constant 640 : i32
    %mul3A_2 = arith.muli %arg1, %mul3A_1 : i32
    "tpu.region"() ({
      %run_scoped3A = tpu.sem_alloc : memref<!tpu.dma_semaphore, #tpu.memory_space<semaphore_mem>>
      %dma_start3A = arith.constant 0 : i32
      %dma_start3A_13 = tpu.memref_slice %arg8[%mul3A_2, %dma_start3A] : memref<10240x128xf32, #tpu.memory_space<vmem_shared>> -> memref<640x128xf32, #tpu.memory_space<vmem_shared>>
      tpu.enqueue_dma source(%arg4 : memref<640x128xf32, #tpu.memory_space<hbm>>) target(%dma_start3A_13 : memref<640x128xf32, #tpu.memory_space<vmem_shared>>) target_semaphore(%run_scoped3A : memref<!tpu.dma_semaphore, #tpu.memory_space<semaphore_mem>>)
      %dma_wait3A = arith.constant 0 : i32
      %dma_wait3A_14 = tpu.memref_slice %arg8[%mul3A_2, %dma_wait3A] : memref<10240x128xf32, #tpu.memory_space<vmem_shared>> -> memref<640x128xf32, #tpu.memory_space<vmem_shared>>
      tpu.wait_dma2 semaphore(%run_scoped3A : memref<!tpu.dma_semaphore, #tpu.memory_space<semaphore_mem>>) src(%arg4 : memref<640x128xf32, #tpu.memory_space<hbm>>) dst(%dma_wait3A_14 : memref<640x128xf32, #tpu.memory_space<vmem_shared>>)
      tpu.yield
    }) : () -> ()
    "tpu.region"() ({
      %run_scoped3A = tpu.sem_alloc : memref<!tpu.dma_semaphore, #tpu.memory_space<semaphore_mem>>
      tpu.enqueue_dma source(%arg3 : memref<125x128xf32, #tpu.memory_space<hbm>>) target(%arg7 : memref<125x128xf32, #tpu.memory_space<vmem>>) target_semaphore(%run_scoped3A : memref<!tpu.dma_semaphore, #tpu.memory_space<semaphore_mem>>)
      tpu.wait_dma2 semaphore(%run_scoped3A : memref<!tpu.dma_semaphore, #tpu.memory_space<semaphore_mem>>) src(%arg3 : memref<125x128xf32, #tpu.memory_space<hbm>>) dst(%arg7 : memref<125x128xf32, #tpu.memory_space<vmem>>)
      tpu.yield
    }) : () -> ()
    %barrier3A = arith.constant 0 : index
    tpu.barrier barrier_id(%barrier3A)
    %scan3A = arith.constant 0 : i32
    %scan3A_3 = arith.constant 0 : i32
    %scan3A_4 = arith.constant 2 : i32
    %scan3A_5 = arith.addi %scan3A_3, %scan3A_4 : i32
    %scan3A_6 = arith.constant 1 : i32
    scf.for %scan3A_13 = %scan3A_3 to %scan3A_5 step %scan3A_6  : i32 {
      %mul3A_14 = arith.constant 40 : i32
      %mul3A_15 = arith.muli %scan3A_13, %mul3A_14 : i32
      "tpu.region"() ({
        %run_scoped3A = tpu.sem_alloc : memref<!tpu.dma_semaphore, #tpu.memory_space<semaphore_mem>>
        %dma_start3A = arith.constant 0 : i32
        %dma_start3A_26 = tpu.memref_slice %arg2[%add3A, %mul3A_15, %dma_start3A] : memref<32x80x125xi32, #tpu.memory_space<hbm>> -> memref<1x40x125xi32, #tpu.memory_space<hbm>>
        %dma_start3A_27 = tpu.memref_squeeze %dma_start3A_26 : memref<1x40x125xi32, #tpu.memory_space<hbm>> -> memref<40x125xi32, #tpu.memory_space<hbm>>
        %dma_start3A_28 = arith.constant 0 : i32
        %dma_start3A_29 = tpu.memref_slice %arg2[%add3A, %mul3A_15, %dma_start3A_28] : memref<32x80x125xi32, #tpu.memory_space<hbm>> -> memref<1x40x125xi32, #tpu.memory_space<hbm>>
        %dma_start3A_30 = tpu.memref_squeeze %dma_start3A_29 : memref<1x40x125xi32, #tpu.memory_space<hbm>> -> memref<40x125xi32, #tpu.memory_space<hbm>>
        tpu.enqueue_dma source(%dma_start3A_30 : memref<40x125xi32, #tpu.memory_space<hbm>>) target(%arg6 : memref<40x125xi32, #tpu.memory_space<vmem>>) target_semaphore(%run_scoped3A : memref<!tpu.dma_semaphore, #tpu.memory_space<semaphore_mem>>)
        %dma_wait3A = arith.constant 0 : i32
        %dma_wait3A_31 = tpu.memref_slice %arg2[%add3A, %mul3A_15, %dma_wait3A] : memref<32x80x125xi32, #tpu.memory_space<hbm>> -> memref<1x40x125xi32, #tpu.memory_space<hbm>>
        %dma_wait3A_32 = tpu.memref_squeeze %dma_wait3A_31 : memref<1x40x125xi32, #tpu.memory_space<hbm>> -> memref<40x125xi32, #tpu.memory_space<hbm>>
        %dma_wait3A_33 = arith.constant 0 : i32
        %dma_wait3A_34 = tpu.memref_slice %arg2[%add3A, %mul3A_15, %dma_wait3A_33] : memref<32x80x125xi32, #tpu.memory_space<hbm>> -> memref<1x40x125xi32, #tpu.memory_space<hbm>>
        %dma_wait3A_35 = tpu.memref_squeeze %dma_wait3A_34 : memref<1x40x125xi32, #tpu.memory_space<hbm>> -> memref<40x125xi32, #tpu.memory_space<hbm>>
        tpu.wait_dma2 semaphore(%run_scoped3A : memref<!tpu.dma_semaphore, #tpu.memory_space<semaphore_mem>>) src(%dma_wait3A_35 : memref<40x125xi32, #tpu.memory_space<hbm>>) dst(%arg6 : memref<40x125xi32, #tpu.memory_space<vmem>>)
        tpu.yield
      }) : () -> ()
      %scan3A_16 = arith.constant 0 : i32
      %scan3A_17 = arith.constant 40 : i32
      %scan3A_18 = arith.addi %scan3A_16, %scan3A_17 : i32
      %scan3A_19 = arith.constant 1 : i32
      scf.for %scan3A_26 = %scan3A_16 to %scan3A_18 step %scan3A_19  : i32 {
        %dma_start3A = arith.constant 0 : i32
        %dma_start3A_27 = tpu.memref_slice %arg6[%scan3A_26, %dma_start3A] : memref<40x125xi32, #tpu.memory_space<vmem>> -> memref<1x125xi32, #tpu.memory_space<vmem>>
        %dma_start3A_28 = tpu.memref_squeeze %dma_start3A_27 : memref<1x125xi32, #tpu.memory_space<vmem>> -> memref<125xi32, #tpu.memory_space<vmem>>
        %dma_start3A_29 = arith.constant 0 : i32
        %dma_start3A_30 = arith.constant 0 : i32
        %dma_start3A_31 = tpu.memref_slice %arg8[%dma_start3A_29, %dma_start3A_30] : memref<10240x128xf32, #tpu.memory_space<vmem_shared>> -> memref<10240x128xf32, #tpu.memory_space<vmem_shared>>
        tpu.enqueue_indirect_dma source(%arg7 : memref<125x128xf32, #tpu.memory_space<vmem>>) target(%dma_start3A_31 : memref<10240x128xf32, #tpu.memory_space<vmem_shared>>) offsets(%dma_start3A_28 : memref<125xi32, #tpu.memory_space<vmem>>) semaphore(%arg9 : memref<!tpu.dma_semaphore, #tpu.memory_space<semaphore_mem>>) {add = true}
      }
      %scan3A_20 = arith.constant 40 : i32
      %scan3A_21 = arith.constant 0 : i32
      %scan3A_22 = arith.constant 40 : i32
      %scan3A_23 = arith.addi %scan3A_21, %scan3A_22 : i32
      %scan3A_24 = arith.constant 1 : i32
      scf.for %scan3A_26 = %scan3A_21 to %scan3A_23 step %scan3A_24  : i32 {
        %dma_wait3A = arith.constant 0 : i32
        %dma_wait3A_27 = tpu.memref_slice %arg6[%scan3A_26, %dma_wait3A] : memref<40x125xi32, #tpu.memory_space<vmem>> -> memref<1x125xi32, #tpu.memory_space<vmem>>
        %dma_wait3A_28 = tpu.memref_squeeze %dma_wait3A_27 : memref<1x125xi32, #tpu.memory_space<vmem>> -> memref<125xi32, #tpu.memory_space<vmem>>
        %dma_wait3A_29 = arith.constant 0 : i32
        %dma_wait3A_30 = arith.constant 0 : i32
        %dma_wait3A_31 = tpu.memref_slice %arg8[%dma_wait3A_29, %dma_wait3A_30] : memref<10240x128xf32, #tpu.memory_space<vmem_shared>> -> memref<10240x128xf32, #tpu.memory_space<vmem_shared>>
        tpu.wait_indirect_dma semaphore(%arg9 : memref<!tpu.dma_semaphore, #tpu.memory_space<semaphore_mem>>) src(%arg7 : memref<125x128xf32, #tpu.memory_space<vmem>>) dst(%dma_wait3A_31 : memref<10240x128xf32, #tpu.memory_space<vmem_shared>>)
      }
      %scan3A_25 = arith.constant 40 : i32
    }
    %scan3A_7 = arith.constant 2 : i32
    %barrier3A_8 = arith.constant 0 : index
    tpu.barrier barrier_id(%barrier3A_8)
    %mul3A_9 = arith.constant 640 : i32
    %mul3A_10 = arith.muli %arg1, %mul3A_9 : i32
    %mul3A_11 = arith.constant 640 : i32
    %mul3A_12 = arith.muli %arg1, %mul3A_11 : i32
    "tpu.region"() ({
      %run_scoped3A = tpu.sem_alloc : memref<!tpu.dma_semaphore, #tpu.memory_space<semaphore_mem>>
      %dma_start3A = arith.constant 0 : i32
      %dma_start3A_13 = tpu.memref_slice %arg5[%arg0, %mul3A_12, %dma_start3A] : memref<2x10240x128xf32, #tpu.memory_space<hbm>> -> memref<1x640x128xf32, #tpu.memory_space<hbm>>
      %dma_start3A_14 = tpu.memref_squeeze %dma_start3A_13 : memref<1x640x128xf32, #tpu.memory_space<hbm>> -> memref<640x128xf32, #tpu.memory_space<hbm>>
      %dma_start3A_15 = arith.constant 0 : i32
      %dma_start3A_16 = tpu.memref_slice %arg8[%mul3A_10, %dma_start3A_15] : memref<10240x128xf32, #tpu.memory_space<vmem_shared>> -> memref<640x128xf32, #tpu.memory_space<vmem_shared>>
      tpu.enqueue_dma source(%dma_start3A_16 : memref<640x128xf32, #tpu.memory_space<vmem_shared>>) target(%dma_start3A_14 : memref<640x128xf32, #tpu.memory_space<hbm>>) target_semaphore(%run_scoped3A : memref<!tpu.dma_semaphore, #tpu.memory_space<semaphore_mem>>)
      %dma_wait3A = arith.constant 0 : i32
      %dma_wait3A_17 = tpu.memref_slice %arg5[%arg0, %mul3A_12, %dma_wait3A] : memref<2x10240x128xf32, #tpu.memory_space<hbm>> -> memref<1x640x128xf32, #tpu.memory_space<hbm>>
      %dma_wait3A_18 = tpu.memref_squeeze %dma_wait3A_17 : memref<1x640x128xf32, #tpu.memory_space<hbm>> -> memref<640x128xf32, #tpu.memory_space<hbm>>
      %dma_wait3A_19 = arith.constant 0 : i32
      %dma_wait3A_20 = tpu.memref_slice %arg8[%mul3A_10, %dma_wait3A_19] : memref<10240x128xf32, #tpu.memory_space<vmem_shared>> -> memref<640x128xf32, #tpu.memory_space<vmem_shared>>
      tpu.wait_dma2 semaphore(%run_scoped3A : memref<!tpu.dma_semaphore, #tpu.memory_space<semaphore_mem>>) src(%dma_wait3A_20 : memref<640x128xf32, #tpu.memory_space<vmem_shared>>) dst(%dma_wait3A_18 : memref<640x128xf32, #tpu.memory_space<hbm>>)
      tpu.yield
    }) : () -> ()
    return
  }
}

#map = affine_map<(d0, d1) -> (0, 0, 0)>
#map1 = affine_map<(d0, d1) -> (0, 0)>
module attributes {stable_mosaic.version = 14 : i64} {
  func.func @prop_call(%arg0: i32, %arg1: i32, %arg2: memref<32x80x125xi32, #tpu.memory_space<hbm>>, %arg3: memref<32x80x125xi32, #tpu.memory_space<hbm>>, %arg4: memref<10000x128xf32, #tpu.memory_space<hbm>>, %arg5: memref<640x128xf32, #tpu.memory_space<hbm>>, %arg6: memref<2x10240x128xf32, #tpu.memory_space<hbm>>, %arg7: memref<40x125xi32, #tpu.memory_space<vmem>>, %arg8: memref<40x125xi32, #tpu.memory_space<vmem>>, %arg9: memref<125x128xf32, #tpu.memory_space<vmem>>, %arg10: memref<125x128xf32, #tpu.memory_space<vmem>>, %arg11: memref<10240x128xf32, #tpu.memory_space<vmem_shared>>, %arg12: memref<!tpu.dma_semaphore, #tpu.memory_space<semaphore_mem>>, %arg13: memref<!tpu.dma_semaphore, #tpu.memory_space<semaphore_mem>>) attributes {dimension_semantics = [#tpu.dimension_semantics<core_parallel>, #tpu.dimension_semantics<subcore_parallel>], iteration_bounds = array<i64: 2, 16>, scalar_prefetch = 0 : i64, scratch_operands = 7 : i64, tpu.core_type = #tpu.core_type<sc_vector_subcore>, window_params = [{transform_indices = #map}, {transform_indices = #map}, {transform_indices = #map1}, {transform_indices = #map1}, {transform_indices = #map}]} {
    %mul3A = arith.constant 2 : i32
    %mul3A_0 = arith.muli %arg1, %mul3A : i32
    %add3A = arith.addi %mul3A_0, %arg0 : i32
    %mul3A_1 = arith.constant 640 : i32
    %mul3A_2 = arith.muli %arg1, %mul3A_1 : i32
    "tpu.region"() ({
      %run_scoped3A = tpu.sem_alloc : memref<!tpu.dma_semaphore, #tpu.memory_space<semaphore_mem>>
      %dma_start3A = arith.constant 0 : i32
      %dma_start3A_13 = tpu.memref_slice %arg11[%mul3A_2, %dma_start3A] : memref<10240x128xf32, #tpu.memory_space<vmem_shared>> -> memref<640x128xf32, #tpu.memory_space<vmem_shared>>
      tpu.enqueue_dma source(%arg5 : memref<640x128xf32, #tpu.memory_space<hbm>>) target(%dma_start3A_13 : memref<640x128xf32, #tpu.memory_space<vmem_shared>>) target_semaphore(%run_scoped3A : memref<!tpu.dma_semaphore, #tpu.memory_space<semaphore_mem>>)
      %dma_wait3A = arith.constant 0 : i32
      %dma_wait3A_14 = tpu.memref_slice %arg11[%mul3A_2, %dma_wait3A] : memref<10240x128xf32, #tpu.memory_space<vmem_shared>> -> memref<640x128xf32, #tpu.memory_space<vmem_shared>>
      tpu.wait_dma2 semaphore(%run_scoped3A : memref<!tpu.dma_semaphore, #tpu.memory_space<semaphore_mem>>) src(%arg5 : memref<640x128xf32, #tpu.memory_space<hbm>>) dst(%dma_wait3A_14 : memref<640x128xf32, #tpu.memory_space<vmem_shared>>)
      tpu.yield
    }) : () -> ()
    %barrier3A = arith.constant 0 : index
    tpu.barrier barrier_id(%barrier3A)
    %scan3A = arith.constant 0 : i32
    %scan3A_3 = arith.constant 0 : i32
    %scan3A_4 = arith.constant 2 : i32
    %scan3A_5 = arith.addi %scan3A_3, %scan3A_4 : i32
    %scan3A_6 = arith.constant 1 : i32
    scf.for %scan3A_13 = %scan3A_3 to %scan3A_5 step %scan3A_6  : i32 {
      %mul3A_14 = arith.constant 40 : i32
      %mul3A_15 = arith.muli %scan3A_13, %mul3A_14 : i32
      "tpu.region"() ({
        %run_scoped3A = tpu.sem_alloc : memref<!tpu.dma_semaphore, #tpu.memory_space<semaphore_mem>>
        %dma_start3A_36 = arith.constant 0 : i32
        %dma_start3A_37 = tpu.memref_slice %arg2[%add3A, %mul3A_15, %dma_start3A_36] : memref<32x80x125xi32, #tpu.memory_space<hbm>> -> memref<1x40x125xi32, #tpu.memory_space<hbm>>
        %dma_start3A_38 = tpu.memref_squeeze %dma_start3A_37 : memref<1x40x125xi32, #tpu.memory_space<hbm>> -> memref<40x125xi32, #tpu.memory_space<hbm>>
        %dma_start3A_39 = arith.constant 0 : i32
        %dma_start3A_40 = tpu.memref_slice %arg2[%add3A, %mul3A_15, %dma_start3A_39] : memref<32x80x125xi32, #tpu.memory_space<hbm>> -> memref<1x40x125xi32, #tpu.memory_space<hbm>>
        %dma_start3A_41 = tpu.memref_squeeze %dma_start3A_40 : memref<1x40x125xi32, #tpu.memory_space<hbm>> -> memref<40x125xi32, #tpu.memory_space<hbm>>
        tpu.enqueue_dma source(%dma_start3A_41 : memref<40x125xi32, #tpu.memory_space<hbm>>) target(%arg7 : memref<40x125xi32, #tpu.memory_space<vmem>>) target_semaphore(%run_scoped3A : memref<!tpu.dma_semaphore, #tpu.memory_space<semaphore_mem>>)
        %dma_wait3A = arith.constant 0 : i32
        %dma_wait3A_42 = tpu.memref_slice %arg2[%add3A, %mul3A_15, %dma_wait3A] : memref<32x80x125xi32, #tpu.memory_space<hbm>> -> memref<1x40x125xi32, #tpu.memory_space<hbm>>
        %dma_wait3A_43 = tpu.memref_squeeze %dma_wait3A_42 : memref<1x40x125xi32, #tpu.memory_space<hbm>> -> memref<40x125xi32, #tpu.memory_space<hbm>>
        %dma_wait3A_44 = arith.constant 0 : i32
        %dma_wait3A_45 = tpu.memref_slice %arg2[%add3A, %mul3A_15, %dma_wait3A_44] : memref<32x80x125xi32, #tpu.memory_space<hbm>> -> memref<1x40x125xi32, #tpu.memory_space<hbm>>
        %dma_wait3A_46 = tpu.memref_squeeze %dma_wait3A_45 : memref<1x40x125xi32, #tpu.memory_space<hbm>> -> memref<40x125xi32, #tpu.memory_space<hbm>>
        tpu.wait_dma2 semaphore(%run_scoped3A : memref<!tpu.dma_semaphore, #tpu.memory_space<semaphore_mem>>) src(%dma_wait3A_46 : memref<40x125xi32, #tpu.memory_space<hbm>>) dst(%arg7 : memref<40x125xi32, #tpu.memory_space<vmem>>)
        tpu.yield
      }) : () -> ()
      %mul3A_16 = arith.constant 40 : i32
      %mul3A_17 = arith.muli %scan3A_13, %mul3A_16 : i32
      "tpu.region"() ({
        %run_scoped3A = tpu.sem_alloc : memref<!tpu.dma_semaphore, #tpu.memory_space<semaphore_mem>>
        %dma_start3A_36 = arith.constant 0 : i32
        %dma_start3A_37 = tpu.memref_slice %arg3[%add3A, %mul3A_17, %dma_start3A_36] : memref<32x80x125xi32, #tpu.memory_space<hbm>> -> memref<1x40x125xi32, #tpu.memory_space<hbm>>
        %dma_start3A_38 = tpu.memref_squeeze %dma_start3A_37 : memref<1x40x125xi32, #tpu.memory_space<hbm>> -> memref<40x125xi32, #tpu.memory_space<hbm>>
        %dma_start3A_39 = arith.constant 0 : i32
        %dma_start3A_40 = tpu.memref_slice %arg3[%add3A, %mul3A_17, %dma_start3A_39] : memref<32x80x125xi32, #tpu.memory_space<hbm>> -> memref<1x40x125xi32, #tpu.memory_space<hbm>>
        %dma_start3A_41 = tpu.memref_squeeze %dma_start3A_40 : memref<1x40x125xi32, #tpu.memory_space<hbm>> -> memref<40x125xi32, #tpu.memory_space<hbm>>
        tpu.enqueue_dma source(%dma_start3A_41 : memref<40x125xi32, #tpu.memory_space<hbm>>) target(%arg8 : memref<40x125xi32, #tpu.memory_space<vmem>>) target_semaphore(%run_scoped3A : memref<!tpu.dma_semaphore, #tpu.memory_space<semaphore_mem>>)
        %dma_wait3A = arith.constant 0 : i32
        %dma_wait3A_42 = tpu.memref_slice %arg3[%add3A, %mul3A_17, %dma_wait3A] : memref<32x80x125xi32, #tpu.memory_space<hbm>> -> memref<1x40x125xi32, #tpu.memory_space<hbm>>
        %dma_wait3A_43 = tpu.memref_squeeze %dma_wait3A_42 : memref<1x40x125xi32, #tpu.memory_space<hbm>> -> memref<40x125xi32, #tpu.memory_space<hbm>>
        %dma_wait3A_44 = arith.constant 0 : i32
        %dma_wait3A_45 = tpu.memref_slice %arg3[%add3A, %mul3A_17, %dma_wait3A_44] : memref<32x80x125xi32, #tpu.memory_space<hbm>> -> memref<1x40x125xi32, #tpu.memory_space<hbm>>
        %dma_wait3A_46 = tpu.memref_squeeze %dma_wait3A_45 : memref<1x40x125xi32, #tpu.memory_space<hbm>> -> memref<40x125xi32, #tpu.memory_space<hbm>>
        tpu.wait_dma2 semaphore(%run_scoped3A : memref<!tpu.dma_semaphore, #tpu.memory_space<semaphore_mem>>) src(%dma_wait3A_46 : memref<40x125xi32, #tpu.memory_space<hbm>>) dst(%arg8 : memref<40x125xi32, #tpu.memory_space<vmem>>)
        tpu.yield
      }) : () -> ()
      %dma_start3A = arith.constant 0 : i32
      %dma_start3A_18 = arith.constant 0 : i32
      %dma_start3A_19 = tpu.memref_slice %arg7[%dma_start3A, %dma_start3A_18] : memref<40x125xi32, #tpu.memory_space<vmem>> -> memref<1x125xi32, #tpu.memory_space<vmem>>
      %dma_start3A_20 = tpu.memref_squeeze %dma_start3A_19 : memref<1x125xi32, #tpu.memory_space<vmem>> -> memref<125xi32, #tpu.memory_space<vmem>>
      %dma_start3A_21 = arith.constant 0 : i32
      %dma_start3A_22 = arith.constant 0 : i32
      %dma_start3A_23 = tpu.memref_slice %arg4[%dma_start3A_21, %dma_start3A_22] : memref<10000x128xf32, #tpu.memory_space<hbm>> -> memref<10000x128xf32, #tpu.memory_space<hbm>>
      tpu.enqueue_indirect_dma source(%dma_start3A_23 : memref<10000x128xf32, #tpu.memory_space<hbm>>) target(%arg9 : memref<125x128xf32, #tpu.memory_space<vmem>>) offsets(%dma_start3A_20 : memref<125xi32, #tpu.memory_space<vmem>>) semaphore(%arg12 : memref<!tpu.dma_semaphore, #tpu.memory_space<semaphore_mem>>)
      %dma_start3A_24 = arith.constant 1 : i32
      %dma_start3A_25 = arith.constant 0 : i32
      %dma_start3A_26 = tpu.memref_slice %arg7[%dma_start3A_24, %dma_start3A_25] : memref<40x125xi32, #tpu.memory_space<vmem>> -> memref<1x125xi32, #tpu.memory_space<vmem>>
      %dma_start3A_27 = tpu.memref_squeeze %dma_start3A_26 : memref<1x125xi32, #tpu.memory_space<vmem>> -> memref<125xi32, #tpu.memory_space<vmem>>
      %dma_start3A_28 = arith.constant 0 : i32
      %dma_start3A_29 = arith.constant 0 : i32
      %dma_start3A_30 = tpu.memref_slice %arg4[%dma_start3A_28, %dma_start3A_29] : memref<10000x128xf32, #tpu.memory_space<hbm>> -> memref<10000x128xf32, #tpu.memory_space<hbm>>
      tpu.enqueue_indirect_dma source(%dma_start3A_30 : memref<10000x128xf32, #tpu.memory_space<hbm>>) target(%arg10 : memref<125x128xf32, #tpu.memory_space<vmem>>) offsets(%dma_start3A_27 : memref<125xi32, #tpu.memory_space<vmem>>) semaphore(%arg13 : memref<!tpu.dma_semaphore, #tpu.memory_space<semaphore_mem>>)
      %scan3A_31 = arith.constant 0 : i32
      %scan3A_32 = arith.constant 20 : i32
      %scan3A_33 = arith.addi %scan3A_31, %scan3A_32 : i32
      %scan3A_34 = arith.constant 1 : i32
      scf.for %scan3A_36 = %scan3A_31 to %scan3A_33 step %scan3A_34  : i32 {
        %mul3A_37 = arith.constant 2 : i32
        %mul3A_38 = arith.muli %mul3A_37, %scan3A_36 : i32
        %dma_wait3A = arith.constant 0 : i32
        %dma_wait3A_39 = tpu.memref_slice %arg7[%mul3A_38, %dma_wait3A] : memref<40x125xi32, #tpu.memory_space<vmem>> -> memref<1x125xi32, #tpu.memory_space<vmem>>
        %dma_wait3A_40 = tpu.memref_squeeze %dma_wait3A_39 : memref<1x125xi32, #tpu.memory_space<vmem>> -> memref<125xi32, #tpu.memory_space<vmem>>
        %dma_wait3A_41 = arith.constant 0 : i32
        %dma_wait3A_42 = arith.constant 0 : i32
        %dma_wait3A_43 = tpu.memref_slice %arg4[%dma_wait3A_41, %dma_wait3A_42] : memref<10000x128xf32, #tpu.memory_space<hbm>> -> memref<10000x128xf32, #tpu.memory_space<hbm>>
        tpu.wait_indirect_dma semaphore(%arg12 : memref<!tpu.dma_semaphore, #tpu.memory_space<semaphore_mem>>) src(%dma_wait3A_43 : memref<10000x128xf32, #tpu.memory_space<hbm>>) dst(%arg9 : memref<125x128xf32, #tpu.memory_space<vmem>>)
        "tpu.region"() ({
          %run_scoped3A = tpu.sem_alloc : memref<!tpu.dma_semaphore, #tpu.memory_space<semaphore_mem>>
          %dma_start3A_65 = arith.constant 0 : i32
          %dma_start3A_66 = tpu.memref_slice %arg8[%mul3A_38, %dma_start3A_65] : memref<40x125xi32, #tpu.memory_space<vmem>> -> memref<1x125xi32, #tpu.memory_space<vmem>>
          %dma_start3A_67 = tpu.memref_squeeze %dma_start3A_66 : memref<1x125xi32, #tpu.memory_space<vmem>> -> memref<125xi32, #tpu.memory_space<vmem>>
          %dma_start3A_68 = arith.constant 0 : i32
          %dma_start3A_69 = arith.constant 0 : i32
          %dma_start3A_70 = tpu.memref_slice %arg11[%dma_start3A_68, %dma_start3A_69] : memref<10240x128xf32, #tpu.memory_space<vmem_shared>> -> memref<10240x128xf32, #tpu.memory_space<vmem_shared>>
          tpu.enqueue_indirect_dma source(%arg9 : memref<125x128xf32, #tpu.memory_space<vmem>>) target(%dma_start3A_70 : memref<10240x128xf32, #tpu.memory_space<vmem_shared>>) offsets(%dma_start3A_67 : memref<125xi32, #tpu.memory_space<vmem>>) semaphore(%run_scoped3A : memref<!tpu.dma_semaphore, #tpu.memory_space<semaphore_mem>>) {add = true}
          %dma_wait3A_71 = arith.constant 0 : i32
          %dma_wait3A_72 = tpu.memref_slice %arg8[%mul3A_38, %dma_wait3A_71] : memref<40x125xi32, #tpu.memory_space<vmem>> -> memref<1x125xi32, #tpu.memory_space<vmem>>
          %dma_wait3A_73 = tpu.memref_squeeze %dma_wait3A_72 : memref<1x125xi32, #tpu.memory_space<vmem>> -> memref<125xi32, #tpu.memory_space<vmem>>
          %dma_wait3A_74 = arith.constant 0 : i32
          %dma_wait3A_75 = arith.constant 0 : i32
          %dma_wait3A_76 = tpu.memref_slice %arg11[%dma_wait3A_74, %dma_wait3A_75] : memref<10240x128xf32, #tpu.memory_space<vmem_shared>> -> memref<10240x128xf32, #tpu.memory_space<vmem_shared>>
          tpu.wait_indirect_dma semaphore(%run_scoped3A : memref<!tpu.dma_semaphore, #tpu.memory_space<semaphore_mem>>) src(%arg9 : memref<125x128xf32, #tpu.memory_space<vmem>>) dst(%dma_wait3A_76 : memref<10240x128xf32, #tpu.memory_space<vmem_shared>>)
          tpu.yield
        }) : () -> ()
        %add3A_44 = arith.constant 2 : i32
        %add3A_45 = arith.addi %mul3A_38, %add3A_44 : i32
        %lt3A = arith.constant 40 : i32
        %lt3A_46 = arith.cmpi slt, %add3A_45, %lt3A : i32
        %convert_element_type3A = arith.extui %lt3A_46 : i1 to i32
        %cond3A = arith.constant 0 : i32
        %cond3A_47 = arith.cmpi ne, %convert_element_type3A, %cond3A : i32
        scf.if %cond3A_47 {
          %add3A_65 = arith.constant 2 : i32
          %add3A_66 = arith.addi %mul3A_38, %add3A_65 : i32
          %dma_start3A_67 = arith.constant 0 : i32
          %dma_start3A_68 = tpu.memref_slice %arg7[%add3A_66, %dma_start3A_67] : memref<40x125xi32, #tpu.memory_space<vmem>> -> memref<1x125xi32, #tpu.memory_space<vmem>>
          %dma_start3A_69 = tpu.memref_squeeze %dma_start3A_68 : memref<1x125xi32, #tpu.memory_space<vmem>> -> memref<125xi32, #tpu.memory_space<vmem>>
          %dma_start3A_70 = arith.constant 0 : i32
          %dma_start3A_71 = arith.constant 0 : i32
          %dma_start3A_72 = tpu.memref_slice %arg4[%dma_start3A_70, %dma_start3A_71] : memref<10000x128xf32, #tpu.memory_space<hbm>> -> memref<10000x128xf32, #tpu.memory_space<hbm>>
          tpu.enqueue_indirect_dma source(%dma_start3A_72 : memref<10000x128xf32, #tpu.memory_space<hbm>>) target(%arg9 : memref<125x128xf32, #tpu.memory_space<vmem>>) offsets(%dma_start3A_69 : memref<125xi32, #tpu.memory_space<vmem>>) semaphore(%arg12 : memref<!tpu.dma_semaphore, #tpu.memory_space<semaphore_mem>>)
        } else {
        }
        %add3A_48 = arith.constant 1 : i32
        %add3A_49 = arith.addi %mul3A_38, %add3A_48 : i32
        %dma_wait3A_50 = arith.constant 0 : i32
        %dma_wait3A_51 = tpu.memref_slice %arg7[%add3A_49, %dma_wait3A_50] : memref<40x125xi32, #tpu.memory_space<vmem>> -> memref<1x125xi32, #tpu.memory_space<vmem>>
        %dma_wait3A_52 = tpu.memref_squeeze %dma_wait3A_51 : memref<1x125xi32, #tpu.memory_space<vmem>> -> memref<125xi32, #tpu.memory_space<vmem>>
        %dma_wait3A_53 = arith.constant 0 : i32
        %dma_wait3A_54 = arith.constant 0 : i32
        %dma_wait3A_55 = tpu.memref_slice %arg4[%dma_wait3A_53, %dma_wait3A_54] : memref<10000x128xf32, #tpu.memory_space<hbm>> -> memref<10000x128xf32, #tpu.memory_space<hbm>>
        tpu.wait_indirect_dma semaphore(%arg13 : memref<!tpu.dma_semaphore, #tpu.memory_space<semaphore_mem>>) src(%dma_wait3A_55 : memref<10000x128xf32, #tpu.memory_space<hbm>>) dst(%arg10 : memref<125x128xf32, #tpu.memory_space<vmem>>)
        %add3A_56 = arith.constant 1 : i32
        %add3A_57 = arith.addi %mul3A_38, %add3A_56 : i32
        "tpu.region"() ({
          %run_scoped3A = tpu.sem_alloc : memref<!tpu.dma_semaphore, #tpu.memory_space<semaphore_mem>>
          %dma_start3A_65 = arith.constant 0 : i32
          %dma_start3A_66 = tpu.memref_slice %arg8[%add3A_57, %dma_start3A_65] : memref<40x125xi32, #tpu.memory_space<vmem>> -> memref<1x125xi32, #tpu.memory_space<vmem>>
          %dma_start3A_67 = tpu.memref_squeeze %dma_start3A_66 : memref<1x125xi32, #tpu.memory_space<vmem>> -> memref<125xi32, #tpu.memory_space<vmem>>
          %dma_start3A_68 = arith.constant 0 : i32
          %dma_start3A_69 = arith.constant 0 : i32
          %dma_start3A_70 = tpu.memref_slice %arg11[%dma_start3A_68, %dma_start3A_69] : memref<10240x128xf32, #tpu.memory_space<vmem_shared>> -> memref<10240x128xf32, #tpu.memory_space<vmem_shared>>
          tpu.enqueue_indirect_dma source(%arg10 : memref<125x128xf32, #tpu.memory_space<vmem>>) target(%dma_start3A_70 : memref<10240x128xf32, #tpu.memory_space<vmem_shared>>) offsets(%dma_start3A_67 : memref<125xi32, #tpu.memory_space<vmem>>) semaphore(%run_scoped3A : memref<!tpu.dma_semaphore, #tpu.memory_space<semaphore_mem>>) {add = true}
          %dma_wait3A_71 = arith.constant 0 : i32
          %dma_wait3A_72 = tpu.memref_slice %arg8[%add3A_57, %dma_wait3A_71] : memref<40x125xi32, #tpu.memory_space<vmem>> -> memref<1x125xi32, #tpu.memory_space<vmem>>
          %dma_wait3A_73 = tpu.memref_squeeze %dma_wait3A_72 : memref<1x125xi32, #tpu.memory_space<vmem>> -> memref<125xi32, #tpu.memory_space<vmem>>
          %dma_wait3A_74 = arith.constant 0 : i32
          %dma_wait3A_75 = arith.constant 0 : i32
          %dma_wait3A_76 = tpu.memref_slice %arg11[%dma_wait3A_74, %dma_wait3A_75] : memref<10240x128xf32, #tpu.memory_space<vmem_shared>> -> memref<10240x128xf32, #tpu.memory_space<vmem_shared>>
          tpu.wait_indirect_dma semaphore(%run_scoped3A : memref<!tpu.dma_semaphore, #tpu.memory_space<semaphore_mem>>) src(%arg10 : memref<125x128xf32, #tpu.memory_space<vmem>>) dst(%dma_wait3A_76 : memref<10240x128xf32, #tpu.memory_space<vmem_shared>>)
          tpu.yield
        }) : () -> ()
        %add3A_58 = arith.constant 3 : i32
        %add3A_59 = arith.addi %mul3A_38, %add3A_58 : i32
        %lt3A_60 = arith.constant 40 : i32
        %lt3A_61 = arith.cmpi slt, %add3A_59, %lt3A_60 : i32
        %convert_element_type3A_62 = arith.extui %lt3A_61 : i1 to i32
        %cond3A_63 = arith.constant 0 : i32
        %cond3A_64 = arith.cmpi ne, %convert_element_type3A_62, %cond3A_63 : i32
        scf.if %cond3A_64 {
          %add3A_65 = arith.constant 3 : i32
          %add3A_66 = arith.addi %mul3A_38, %add3A_65 : i32
          %dma_start3A_67 = arith.constant 0 : i32
          %dma_start3A_68 = tpu.memref_slice %arg7[%add3A_66, %dma_start3A_67] : memref<40x125xi32, #tpu.memory_space<vmem>> -> memref<1x125xi32, #tpu.memory_space<vmem>>
          %dma_start3A_69 = tpu.memref_squeeze %dma_start3A_68 : memref<1x125xi32, #tpu.memory_space<vmem>> -> memref<125xi32, #tpu.memory_space<vmem>>
          %dma_start3A_70 = arith.constant 0 : i32
          %dma_start3A_71 = arith.constant 0 : i32
          %dma_start3A_72 = tpu.memref_slice %arg4[%dma_start3A_70, %dma_start3A_71] : memref<10000x128xf32, #tpu.memory_space<hbm>> -> memref<10000x128xf32, #tpu.memory_space<hbm>>
          tpu.enqueue_indirect_dma source(%dma_start3A_72 : memref<10000x128xf32, #tpu.memory_space<hbm>>) target(%arg10 : memref<125x128xf32, #tpu.memory_space<vmem>>) offsets(%dma_start3A_69 : memref<125xi32, #tpu.memory_space<vmem>>) semaphore(%arg13 : memref<!tpu.dma_semaphore, #tpu.memory_space<semaphore_mem>>)
        } else {
        }
      }
      %scan3A_35 = arith.constant 20 : i32
    }
    %scan3A_7 = arith.constant 2 : i32
    %barrier3A_8 = arith.constant 0 : index
    tpu.barrier barrier_id(%barrier3A_8)
    %mul3A_9 = arith.constant 640 : i32
    %mul3A_10 = arith.muli %arg1, %mul3A_9 : i32
    %mul3A_11 = arith.constant 640 : i32
    %mul3A_12 = arith.muli %arg1, %mul3A_11 : i32
    "tpu.region"() ({
      %run_scoped3A = tpu.sem_alloc : memref<!tpu.dma_semaphore, #tpu.memory_space<semaphore_mem>>
      %dma_start3A = arith.constant 0 : i32
      %dma_start3A_13 = tpu.memref_slice %arg6[%arg0, %mul3A_12, %dma_start3A] : memref<2x10240x128xf32, #tpu.memory_space<hbm>> -> memref<1x640x128xf32, #tpu.memory_space<hbm>>
      %dma_start3A_14 = tpu.memref_squeeze %dma_start3A_13 : memref<1x640x128xf32, #tpu.memory_space<hbm>> -> memref<640x128xf32, #tpu.memory_space<hbm>>
      %dma_start3A_15 = arith.constant 0 : i32
      %dma_start3A_16 = tpu.memref_slice %arg11[%mul3A_10, %dma_start3A_15] : memref<10240x128xf32, #tpu.memory_space<vmem_shared>> -> memref<640x128xf32, #tpu.memory_space<vmem_shared>>
      tpu.enqueue_dma source(%dma_start3A_16 : memref<640x128xf32, #tpu.memory_space<vmem_shared>>) target(%dma_start3A_14 : memref<640x128xf32, #tpu.memory_space<hbm>>) target_semaphore(%run_scoped3A : memref<!tpu.dma_semaphore, #tpu.memory_space<semaphore_mem>>)
      %dma_wait3A = arith.constant 0 : i32
      %dma_wait3A_17 = tpu.memref_slice %arg6[%arg0, %mul3A_12, %dma_wait3A] : memref<2x10240x128xf32, #tpu.memory_space<hbm>> -> memref<1x640x128xf32, #tpu.memory_space<hbm>>
      %dma_wait3A_18 = tpu.memref_squeeze %dma_wait3A_17 : memref<1x640x128xf32, #tpu.memory_space<hbm>> -> memref<640x128xf32, #tpu.memory_space<hbm>>
      %dma_wait3A_19 = arith.constant 0 : i32
      %dma_wait3A_20 = tpu.memref_slice %arg11[%mul3A_10, %dma_wait3A_19] : memref<10240x128xf32, #tpu.memory_space<vmem_shared>> -> memref<640x128xf32, #tpu.memory_space<vmem_shared>>
      tpu.wait_dma2 semaphore(%run_scoped3A : memref<!tpu.dma_semaphore, #tpu.memory_space<semaphore_mem>>) src(%dma_wait3A_20 : memref<640x128xf32, #tpu.memory_space<vmem_shared>>) dst(%dma_wait3A_18 : memref<640x128xf32, #tpu.memory_space<hbm>>)
      tpu.yield
    }) : () -> ()
    return
  }
}

#map = affine_map<(d0, d1) -> (0, 0, 0)>
#map1 = affine_map<(d0, d1) -> (0, 0)>
module attributes {stable_mosaic.version = 14 : i64} {
  func.func @prop_call(%arg0: i32, %arg1: i32, %arg2: memref<32x80x125xi32, #tpu.memory_space<hbm>>, %arg3: memref<32x80x125xi32, #tpu.memory_space<hbm>>, %arg4: memref<10000x128xf32, #tpu.memory_space<hbm>>, %arg5: memref<640x128xf32, #tpu.memory_space<hbm>>, %arg6: memref<2x10240x128xf32, #tpu.memory_space<hbm>>, %arg7: memref<40x125xi32, #tpu.memory_space<vmem>>, %arg8: memref<40x125xi32, #tpu.memory_space<vmem>>, %arg9: memref<125x128xf32, #tpu.memory_space<vmem>>, %arg10: memref<125x128xf32, #tpu.memory_space<vmem>>, %arg11: memref<10240x128xf32, #tpu.memory_space<vmem_shared>>, %arg12: memref<!tpu.dma_semaphore, #tpu.memory_space<semaphore_mem>>, %arg13: memref<!tpu.dma_semaphore, #tpu.memory_space<semaphore_mem>>) attributes {dimension_semantics = [#tpu.dimension_semantics<core_parallel>, #tpu.dimension_semantics<subcore_parallel>], iteration_bounds = array<i64: 2, 16>, scalar_prefetch = 0 : i64, scratch_operands = 7 : i64, tpu.core_type = #tpu.core_type<sc_vector_subcore>, window_params = [{transform_indices = #map}, {transform_indices = #map}, {transform_indices = #map1}, {transform_indices = #map1}, {transform_indices = #map}]} {
    %mul3A = arith.constant 2 : i32
    %mul3A_0 = arith.muli %arg1, %mul3A : i32
    %add3A = arith.addi %mul3A_0, %arg0 : i32
    %mul3A_1 = arith.constant 640 : i32
    %mul3A_2 = arith.muli %arg1, %mul3A_1 : i32
    "tpu.region"() ({
      %run_scoped3A = tpu.sem_alloc : memref<!tpu.dma_semaphore, #tpu.memory_space<semaphore_mem>>
      %dma_start3A = arith.constant 0 : i32
      %dma_start3A_13 = tpu.memref_slice %arg11[%mul3A_2, %dma_start3A] : memref<10240x128xf32, #tpu.memory_space<vmem_shared>> -> memref<640x128xf32, #tpu.memory_space<vmem_shared>>
      tpu.enqueue_dma source(%arg5 : memref<640x128xf32, #tpu.memory_space<hbm>>) target(%dma_start3A_13 : memref<640x128xf32, #tpu.memory_space<vmem_shared>>) target_semaphore(%run_scoped3A : memref<!tpu.dma_semaphore, #tpu.memory_space<semaphore_mem>>)
      %dma_wait3A = arith.constant 0 : i32
      %dma_wait3A_14 = tpu.memref_slice %arg11[%mul3A_2, %dma_wait3A] : memref<10240x128xf32, #tpu.memory_space<vmem_shared>> -> memref<640x128xf32, #tpu.memory_space<vmem_shared>>
      tpu.wait_dma2 semaphore(%run_scoped3A : memref<!tpu.dma_semaphore, #tpu.memory_space<semaphore_mem>>) src(%arg5 : memref<640x128xf32, #tpu.memory_space<hbm>>) dst(%dma_wait3A_14 : memref<640x128xf32, #tpu.memory_space<vmem_shared>>)
      tpu.yield
    }) : () -> ()
    %barrier3A = arith.constant 0 : index
    tpu.barrier barrier_id(%barrier3A)
    %scan3A = arith.constant 0 : i32
    %scan3A_3 = arith.constant 0 : i32
    %scan3A_4 = arith.constant 2 : i32
    %scan3A_5 = arith.addi %scan3A_3, %scan3A_4 : i32
    %scan3A_6 = arith.constant 1 : i32
    scf.for %scan3A_13 = %scan3A_3 to %scan3A_5 step %scan3A_6  : i32 {
      %mul3A_14 = arith.constant 40 : i32
      %mul3A_15 = arith.muli %scan3A_13, %mul3A_14 : i32
      "tpu.region"() ({
        %run_scoped3A = tpu.sem_alloc : memref<!tpu.dma_semaphore, #tpu.memory_space<semaphore_mem>>
        %dma_start3A_36 = arith.constant 0 : i32
        %dma_start3A_37 = tpu.memref_slice %arg2[%add3A, %mul3A_15, %dma_start3A_36] : memref<32x80x125xi32, #tpu.memory_space<hbm>> -> memref<1x40x125xi32, #tpu.memory_space<hbm>>
        %dma_start3A_38 = tpu.memref_squeeze %dma_start3A_37 : memref<1x40x125xi32, #tpu.memory_space<hbm>> -> memref<40x125xi32, #tpu.memory_space<hbm>>
        %dma_start3A_39 = arith.constant 0 : i32
        %dma_start3A_40 = tpu.memref_slice %arg2[%add3A, %mul3A_15, %dma_start3A_39] : memref<32x80x125xi32, #tpu.memory_space<hbm>> -> memref<1x40x125xi32, #tpu.memory_space<hbm>>
        %dma_start3A_41 = tpu.memref_squeeze %dma_start3A_40 : memref<1x40x125xi32, #tpu.memory_space<hbm>> -> memref<40x125xi32, #tpu.memory_space<hbm>>
        tpu.enqueue_dma source(%dma_start3A_41 : memref<40x125xi32, #tpu.memory_space<hbm>>) target(%arg7 : memref<40x125xi32, #tpu.memory_space<vmem>>) target_semaphore(%run_scoped3A : memref<!tpu.dma_semaphore, #tpu.memory_space<semaphore_mem>>)
        %dma_wait3A = arith.constant 0 : i32
        %dma_wait3A_42 = tpu.memref_slice %arg2[%add3A, %mul3A_15, %dma_wait3A] : memref<32x80x125xi32, #tpu.memory_space<hbm>> -> memref<1x40x125xi32, #tpu.memory_space<hbm>>
        %dma_wait3A_43 = tpu.memref_squeeze %dma_wait3A_42 : memref<1x40x125xi32, #tpu.memory_space<hbm>> -> memref<40x125xi32, #tpu.memory_space<hbm>>
        %dma_wait3A_44 = arith.constant 0 : i32
        %dma_wait3A_45 = tpu.memref_slice %arg2[%add3A, %mul3A_15, %dma_wait3A_44] : memref<32x80x125xi32, #tpu.memory_space<hbm>> -> memref<1x40x125xi32, #tpu.memory_space<hbm>>
        %dma_wait3A_46 = tpu.memref_squeeze %dma_wait3A_45 : memref<1x40x125xi32, #tpu.memory_space<hbm>> -> memref<40x125xi32, #tpu.memory_space<hbm>>
        tpu.wait_dma2 semaphore(%run_scoped3A : memref<!tpu.dma_semaphore, #tpu.memory_space<semaphore_mem>>) src(%dma_wait3A_46 : memref<40x125xi32, #tpu.memory_space<hbm>>) dst(%arg7 : memref<40x125xi32, #tpu.memory_space<vmem>>)
        tpu.yield
      }) : () -> ()
      %mul3A_16 = arith.constant 40 : i32
      %mul3A_17 = arith.muli %scan3A_13, %mul3A_16 : i32
      "tpu.region"() ({
        %run_scoped3A = tpu.sem_alloc : memref<!tpu.dma_semaphore, #tpu.memory_space<semaphore_mem>>
        %dma_start3A_36 = arith.constant 0 : i32
        %dma_start3A_37 = tpu.memref_slice %arg3[%add3A, %mul3A_17, %dma_start3A_36] : memref<32x80x125xi32, #tpu.memory_space<hbm>> -> memref<1x40x125xi32, #tpu.memory_space<hbm>>
        %dma_start3A_38 = tpu.memref_squeeze %dma_start3A_37 : memref<1x40x125xi32, #tpu.memory_space<hbm>> -> memref<40x125xi32, #tpu.memory_space<hbm>>
        %dma_start3A_39 = arith.constant 0 : i32
        %dma_start3A_40 = tpu.memref_slice %arg3[%add3A, %mul3A_17, %dma_start3A_39] : memref<32x80x125xi32, #tpu.memory_space<hbm>> -> memref<1x40x125xi32, #tpu.memory_space<hbm>>
        %dma_start3A_41 = tpu.memref_squeeze %dma_start3A_40 : memref<1x40x125xi32, #tpu.memory_space<hbm>> -> memref<40x125xi32, #tpu.memory_space<hbm>>
        tpu.enqueue_dma source(%dma_start3A_41 : memref<40x125xi32, #tpu.memory_space<hbm>>) target(%arg8 : memref<40x125xi32, #tpu.memory_space<vmem>>) target_semaphore(%run_scoped3A : memref<!tpu.dma_semaphore, #tpu.memory_space<semaphore_mem>>)
        %dma_wait3A = arith.constant 0 : i32
        %dma_wait3A_42 = tpu.memref_slice %arg3[%add3A, %mul3A_17, %dma_wait3A] : memref<32x80x125xi32, #tpu.memory_space<hbm>> -> memref<1x40x125xi32, #tpu.memory_space<hbm>>
        %dma_wait3A_43 = tpu.memref_squeeze %dma_wait3A_42 : memref<1x40x125xi32, #tpu.memory_space<hbm>> -> memref<40x125xi32, #tpu.memory_space<hbm>>
        %dma_wait3A_44 = arith.constant 0 : i32
        %dma_wait3A_45 = tpu.memref_slice %arg3[%add3A, %mul3A_17, %dma_wait3A_44] : memref<32x80x125xi32, #tpu.memory_space<hbm>> -> memref<1x40x125xi32, #tpu.memory_space<hbm>>
        %dma_wait3A_46 = tpu.memref_squeeze %dma_wait3A_45 : memref<1x40x125xi32, #tpu.memory_space<hbm>> -> memref<40x125xi32, #tpu.memory_space<hbm>>
        tpu.wait_dma2 semaphore(%run_scoped3A : memref<!tpu.dma_semaphore, #tpu.memory_space<semaphore_mem>>) src(%dma_wait3A_46 : memref<40x125xi32, #tpu.memory_space<hbm>>) dst(%arg8 : memref<40x125xi32, #tpu.memory_space<vmem>>)
        tpu.yield
      }) : () -> ()
      %dma_start3A = arith.constant 0 : i32
      %dma_start3A_18 = arith.constant 0 : i32
      %dma_start3A_19 = tpu.memref_slice %arg7[%dma_start3A, %dma_start3A_18] : memref<40x125xi32, #tpu.memory_space<vmem>> -> memref<1x125xi32, #tpu.memory_space<vmem>>
      %dma_start3A_20 = tpu.memref_squeeze %dma_start3A_19 : memref<1x125xi32, #tpu.memory_space<vmem>> -> memref<125xi32, #tpu.memory_space<vmem>>
      %dma_start3A_21 = arith.constant 0 : i32
      %dma_start3A_22 = arith.constant 0 : i32
      %dma_start3A_23 = tpu.memref_slice %arg4[%dma_start3A_21, %dma_start3A_22] : memref<10000x128xf32, #tpu.memory_space<hbm>> -> memref<10000x128xf32, #tpu.memory_space<hbm>>
      tpu.enqueue_indirect_dma source(%dma_start3A_23 : memref<10000x128xf32, #tpu.memory_space<hbm>>) target(%arg9 : memref<125x128xf32, #tpu.memory_space<vmem>>) offsets(%dma_start3A_20 : memref<125xi32, #tpu.memory_space<vmem>>) semaphore(%arg12 : memref<!tpu.dma_semaphore, #tpu.memory_space<semaphore_mem>>)
      %dma_start3A_24 = arith.constant 1 : i32
      %dma_start3A_25 = arith.constant 0 : i32
      %dma_start3A_26 = tpu.memref_slice %arg7[%dma_start3A_24, %dma_start3A_25] : memref<40x125xi32, #tpu.memory_space<vmem>> -> memref<1x125xi32, #tpu.memory_space<vmem>>
      %dma_start3A_27 = tpu.memref_squeeze %dma_start3A_26 : memref<1x125xi32, #tpu.memory_space<vmem>> -> memref<125xi32, #tpu.memory_space<vmem>>
      %dma_start3A_28 = arith.constant 0 : i32
      %dma_start3A_29 = arith.constant 0 : i32
      %dma_start3A_30 = tpu.memref_slice %arg4[%dma_start3A_28, %dma_start3A_29] : memref<10000x128xf32, #tpu.memory_space<hbm>> -> memref<10000x128xf32, #tpu.memory_space<hbm>>
      tpu.enqueue_indirect_dma source(%dma_start3A_30 : memref<10000x128xf32, #tpu.memory_space<hbm>>) target(%arg10 : memref<125x128xf32, #tpu.memory_space<vmem>>) offsets(%dma_start3A_27 : memref<125xi32, #tpu.memory_space<vmem>>) semaphore(%arg13 : memref<!tpu.dma_semaphore, #tpu.memory_space<semaphore_mem>>)
      %scan3A_31 = arith.constant 0 : i32
      %scan3A_32 = arith.constant 20 : i32
      %scan3A_33 = arith.addi %scan3A_31, %scan3A_32 : i32
      %scan3A_34 = arith.constant 1 : i32
      scf.for %scan3A_36 = %scan3A_31 to %scan3A_33 step %scan3A_34  : i32 {
        %mul3A_37 = arith.constant 2 : i32
        %mul3A_38 = arith.muli %mul3A_37, %scan3A_36 : i32
        %dma_wait3A = arith.constant 0 : i32
        %dma_wait3A_39 = tpu.memref_slice %arg7[%mul3A_38, %dma_wait3A] : memref<40x125xi32, #tpu.memory_space<vmem>> -> memref<1x125xi32, #tpu.memory_space<vmem>>
        %dma_wait3A_40 = tpu.memref_squeeze %dma_wait3A_39 : memref<1x125xi32, #tpu.memory_space<vmem>> -> memref<125xi32, #tpu.memory_space<vmem>>
        %dma_wait3A_41 = arith.constant 0 : i32
        %dma_wait3A_42 = arith.constant 0 : i32
        %dma_wait3A_43 = tpu.memref_slice %arg4[%dma_wait3A_41, %dma_wait3A_42] : memref<10000x128xf32, #tpu.memory_space<hbm>> -> memref<10000x128xf32, #tpu.memory_space<hbm>>
        tpu.wait_indirect_dma semaphore(%arg12 : memref<!tpu.dma_semaphore, #tpu.memory_space<semaphore_mem>>) src(%dma_wait3A_43 : memref<10000x128xf32, #tpu.memory_space<hbm>>) dst(%arg9 : memref<125x128xf32, #tpu.memory_space<vmem>>)
        "tpu.region"() ({
          %run_scoped3A = tpu.sem_alloc : memref<!tpu.dma_semaphore, #tpu.memory_space<semaphore_mem>>
          %dma_start3A_65 = arith.constant 0 : i32
          %dma_start3A_66 = tpu.memref_slice %arg8[%mul3A_38, %dma_start3A_65] : memref<40x125xi32, #tpu.memory_space<vmem>> -> memref<1x125xi32, #tpu.memory_space<vmem>>
          %dma_start3A_67 = tpu.memref_squeeze %dma_start3A_66 : memref<1x125xi32, #tpu.memory_space<vmem>> -> memref<125xi32, #tpu.memory_space<vmem>>
          %dma_start3A_68 = arith.constant 0 : i32
          %dma_start3A_69 = arith.constant 0 : i32
          %dma_start3A_70 = tpu.memref_slice %arg11[%dma_start3A_68, %dma_start3A_69] : memref<10240x128xf32, #tpu.memory_space<vmem_shared>> -> memref<10240x128xf32, #tpu.memory_space<vmem_shared>>
          tpu.enqueue_indirect_dma source(%arg9 : memref<125x128xf32, #tpu.memory_space<vmem>>) target(%dma_start3A_70 : memref<10240x128xf32, #tpu.memory_space<vmem_shared>>) offsets(%dma_start3A_67 : memref<125xi32, #tpu.memory_space<vmem>>) semaphore(%run_scoped3A : memref<!tpu.dma_semaphore, #tpu.memory_space<semaphore_mem>>) {add = true}
          %dma_wait3A_71 = arith.constant 0 : i32
          %dma_wait3A_72 = tpu.memref_slice %arg8[%mul3A_38, %dma_wait3A_71] : memref<40x125xi32, #tpu.memory_space<vmem>> -> memref<1x125xi32, #tpu.memory_space<vmem>>
          %dma_wait3A_73 = tpu.memref_squeeze %dma_wait3A_72 : memref<1x125xi32, #tpu.memory_space<vmem>> -> memref<125xi32, #tpu.memory_space<vmem>>
          %dma_wait3A_74 = arith.constant 0 : i32
          %dma_wait3A_75 = arith.constant 0 : i32
          %dma_wait3A_76 = tpu.memref_slice %arg11[%dma_wait3A_74, %dma_wait3A_75] : memref<10240x128xf32, #tpu.memory_space<vmem_shared>> -> memref<10240x128xf32, #tpu.memory_space<vmem_shared>>
          tpu.wait_indirect_dma semaphore(%run_scoped3A : memref<!tpu.dma_semaphore, #tpu.memory_space<semaphore_mem>>) src(%arg9 : memref<125x128xf32, #tpu.memory_space<vmem>>) dst(%dma_wait3A_76 : memref<10240x128xf32, #tpu.memory_space<vmem_shared>>)
          tpu.yield
        }) : () -> ()
        %add3A_44 = arith.constant 2 : i32
        %add3A_45 = arith.addi %mul3A_38, %add3A_44 : i32
        %lt3A = arith.constant 40 : i32
        %lt3A_46 = arith.cmpi slt, %add3A_45, %lt3A : i32
        %convert_element_type3A = arith.extui %lt3A_46 : i1 to i32
        %cond3A = arith.constant 0 : i32
        %cond3A_47 = arith.cmpi ne, %convert_element_type3A, %cond3A : i32
        scf.if %cond3A_47 {
          %add3A_65 = arith.constant 2 : i32
          %add3A_66 = arith.addi %mul3A_38, %add3A_65 : i32
          %dma_start3A_67 = arith.constant 0 : i32
          %dma_start3A_68 = tpu.memref_slice %arg7[%add3A_66, %dma_start3A_67] : memref<40x125xi32, #tpu.memory_space<vmem>> -> memref<1x125xi32, #tpu.memory_space<vmem>>
          %dma_start3A_69 = tpu.memref_squeeze %dma_start3A_68 : memref<1x125xi32, #tpu.memory_space<vmem>> -> memref<125xi32, #tpu.memory_space<vmem>>
          %dma_start3A_70 = arith.constant 0 : i32
          %dma_start3A_71 = arith.constant 0 : i32
          %dma_start3A_72 = tpu.memref_slice %arg4[%dma_start3A_70, %dma_start3A_71] : memref<10000x128xf32, #tpu.memory_space<hbm>> -> memref<10000x128xf32, #tpu.memory_space<hbm>>
          tpu.enqueue_indirect_dma source(%dma_start3A_72 : memref<10000x128xf32, #tpu.memory_space<hbm>>) target(%arg9 : memref<125x128xf32, #tpu.memory_space<vmem>>) offsets(%dma_start3A_69 : memref<125xi32, #tpu.memory_space<vmem>>) semaphore(%arg12 : memref<!tpu.dma_semaphore, #tpu.memory_space<semaphore_mem>>)
        } else {
        }
        %add3A_48 = arith.constant 1 : i32
        %add3A_49 = arith.addi %mul3A_38, %add3A_48 : i32
        %dma_wait3A_50 = arith.constant 0 : i32
        %dma_wait3A_51 = tpu.memref_slice %arg7[%add3A_49, %dma_wait3A_50] : memref<40x125xi32, #tpu.memory_space<vmem>> -> memref<1x125xi32, #tpu.memory_space<vmem>>
        %dma_wait3A_52 = tpu.memref_squeeze %dma_wait3A_51 : memref<1x125xi32, #tpu.memory_space<vmem>> -> memref<125xi32, #tpu.memory_space<vmem>>
        %dma_wait3A_53 = arith.constant 0 : i32
        %dma_wait3A_54 = arith.constant 0 : i32
        %dma_wait3A_55 = tpu.memref_slice %arg4[%dma_wait3A_53, %dma_wait3A_54] : memref<10000x128xf32, #tpu.memory_space<hbm>> -> memref<10000x128xf32, #tpu.memory_space<hbm>>
        tpu.wait_indirect_dma semaphore(%arg13 : memref<!tpu.dma_semaphore, #tpu.memory_space<semaphore_mem>>) src(%dma_wait3A_55 : memref<10000x128xf32, #tpu.memory_space<hbm>>) dst(%arg10 : memref<125x128xf32, #tpu.memory_space<vmem>>)
        %add3A_56 = arith.constant 1 : i32
        %add3A_57 = arith.addi %mul3A_38, %add3A_56 : i32
        "tpu.region"() ({
          %run_scoped3A = tpu.sem_alloc : memref<!tpu.dma_semaphore, #tpu.memory_space<semaphore_mem>>
          %dma_start3A_65 = arith.constant 0 : i32
          %dma_start3A_66 = tpu.memref_slice %arg8[%add3A_57, %dma_start3A_65] : memref<40x125xi32, #tpu.memory_space<vmem>> -> memref<1x125xi32, #tpu.memory_space<vmem>>
          %dma_start3A_67 = tpu.memref_squeeze %dma_start3A_66 : memref<1x125xi32, #tpu.memory_space<vmem>> -> memref<125xi32, #tpu.memory_space<vmem>>
          %dma_start3A_68 = arith.constant 0 : i32
          %dma_start3A_69 = arith.constant 0 : i32
          %dma_start3A_70 = tpu.memref_slice %arg11[%dma_start3A_68, %dma_start3A_69] : memref<10240x128xf32, #tpu.memory_space<vmem_shared>> -> memref<10240x128xf32, #tpu.memory_space<vmem_shared>>
          tpu.enqueue_indirect_dma source(%arg10 : memref<125x128xf32, #tpu.memory_space<vmem>>) target(%dma_start3A_70 : memref<10240x128xf32, #tpu.memory_space<vmem_shared>>) offsets(%dma_start3A_67 : memref<125xi32, #tpu.memory_space<vmem>>) semaphore(%run_scoped3A : memref<!tpu.dma_semaphore, #tpu.memory_space<semaphore_mem>>) {add = true}
          %dma_wait3A_71 = arith.constant 0 : i32
          %dma_wait3A_72 = tpu.memref_slice %arg8[%add3A_57, %dma_wait3A_71] : memref<40x125xi32, #tpu.memory_space<vmem>> -> memref<1x125xi32, #tpu.memory_space<vmem>>
          %dma_wait3A_73 = tpu.memref_squeeze %dma_wait3A_72 : memref<1x125xi32, #tpu.memory_space<vmem>> -> memref<125xi32, #tpu.memory_space<vmem>>
          %dma_wait3A_74 = arith.constant 0 : i32
          %dma_wait3A_75 = arith.constant 0 : i32
          %dma_wait3A_76 = tpu.memref_slice %arg11[%dma_wait3A_74, %dma_wait3A_75] : memref<10240x128xf32, #tpu.memory_space<vmem_shared>> -> memref<10240x128xf32, #tpu.memory_space<vmem_shared>>
          tpu.wait_indirect_dma semaphore(%run_scoped3A : memref<!tpu.dma_semaphore, #tpu.memory_space<semaphore_mem>>) src(%arg10 : memref<125x128xf32, #tpu.memory_space<vmem>>) dst(%dma_wait3A_76 : memref<10240x128xf32, #tpu.memory_space<vmem_shared>>)
          tpu.yield
        }) : () -> ()
        %add3A_58 = arith.constant 3 : i32
        %add3A_59 = arith.addi %mul3A_38, %add3A_58 : i32
        %lt3A_60 = arith.constant 40 : i32
        %lt3A_61 = arith.cmpi slt, %add3A_59, %lt3A_60 : i32
        %convert_element_type3A_62 = arith.extui %lt3A_61 : i1 to i32
        %cond3A_63 = arith.constant 0 : i32
        %cond3A_64 = arith.cmpi ne, %convert_element_type3A_62, %cond3A_63 : i32
        scf.if %cond3A_64 {
          %add3A_65 = arith.constant 3 : i32
          %add3A_66 = arith.addi %mul3A_38, %add3A_65 : i32
          %dma_start3A_67 = arith.constant 0 : i32
          %dma_start3A_68 = tpu.memref_slice %arg7[%add3A_66, %dma_start3A_67] : memref<40x125xi32, #tpu.memory_space<vmem>> -> memref<1x125xi32, #tpu.memory_space<vmem>>
          %dma_start3A_69 = tpu.memref_squeeze %dma_start3A_68 : memref<1x125xi32, #tpu.memory_space<vmem>> -> memref<125xi32, #tpu.memory_space<vmem>>
          %dma_start3A_70 = arith.constant 0 : i32
          %dma_start3A_71 = arith.constant 0 : i32
          %dma_start3A_72 = tpu.memref_slice %arg4[%dma_start3A_70, %dma_start3A_71] : memref<10000x128xf32, #tpu.memory_space<hbm>> -> memref<10000x128xf32, #tpu.memory_space<hbm>>
          tpu.enqueue_indirect_dma source(%dma_start3A_72 : memref<10000x128xf32, #tpu.memory_space<hbm>>) target(%arg10 : memref<125x128xf32, #tpu.memory_space<vmem>>) offsets(%dma_start3A_69 : memref<125xi32, #tpu.memory_space<vmem>>) semaphore(%arg13 : memref<!tpu.dma_semaphore, #tpu.memory_space<semaphore_mem>>)
        } else {
        }
      }
      %scan3A_35 = arith.constant 20 : i32
    }
    %scan3A_7 = arith.constant 2 : i32
    %barrier3A_8 = arith.constant 0 : index
    tpu.barrier barrier_id(%barrier3A_8)
    %mul3A_9 = arith.constant 640 : i32
    %mul3A_10 = arith.muli %arg1, %mul3A_9 : i32
    %mul3A_11 = arith.constant 640 : i32
    %mul3A_12 = arith.muli %arg1, %mul3A_11 : i32
    "tpu.region"() ({
      %run_scoped3A = tpu.sem_alloc : memref<!tpu.dma_semaphore, #tpu.memory_space<semaphore_mem>>
      %dma_start3A = arith.constant 0 : i32
      %dma_start3A_13 = tpu.memref_slice %arg6[%arg0, %mul3A_12, %dma_start3A] : memref<2x10240x128xf32, #tpu.memory_space<hbm>> -> memref<1x640x128xf32, #tpu.memory_space<hbm>>
      %dma_start3A_14 = tpu.memref_squeeze %dma_start3A_13 : memref<1x640x128xf32, #tpu.memory_space<hbm>> -> memref<640x128xf32, #tpu.memory_space<hbm>>
      %dma_start3A_15 = arith.constant 0 : i32
      %dma_start3A_16 = tpu.memref_slice %arg11[%mul3A_10, %dma_start3A_15] : memref<10240x128xf32, #tpu.memory_space<vmem_shared>> -> memref<640x128xf32, #tpu.memory_space<vmem_shared>>
      tpu.enqueue_dma source(%dma_start3A_16 : memref<640x128xf32, #tpu.memory_space<vmem_shared>>) target(%dma_start3A_14 : memref<640x128xf32, #tpu.memory_space<hbm>>) target_semaphore(%run_scoped3A : memref<!tpu.dma_semaphore, #tpu.memory_space<semaphore_mem>>)
      %dma_wait3A = arith.constant 0 : i32
      %dma_wait3A_17 = tpu.memref_slice %arg6[%arg0, %mul3A_12, %dma_wait3A] : memref<2x10240x128xf32, #tpu.memory_space<hbm>> -> memref<1x640x128xf32, #tpu.memory_space<hbm>>
      %dma_wait3A_18 = tpu.memref_squeeze %dma_wait3A_17 : memref<1x640x128xf32, #tpu.memory_space<hbm>> -> memref<640x128xf32, #tpu.memory_space<hbm>>
      %dma_wait3A_19 = arith.constant 0 : i32
      %dma_wait3A_20 = tpu.memref_slice %arg11[%mul3A_10, %dma_wait3A_19] : memref<10240x128xf32, #tpu.memory_space<vmem_shared>> -> memref<640x128xf32, #tpu.memory_space<vmem_shared>>
      tpu.wait_dma2 semaphore(%run_scoped3A : memref<!tpu.dma_semaphore, #tpu.memory_space<semaphore_mem>>) src(%dma_wait3A_20 : memref<640x128xf32, #tpu.memory_space<vmem_shared>>) dst(%dma_wait3A_18 : memref<640x128xf32, #tpu.memory_space<hbm>>)
      tpu.yield
    }) : () -> ()
    return
  }
}

module attributes {stable_mosaic.version = 14 : i64} {
  func.func @_prologue_body(%arg0: i32, %arg1: memref<1000x128xf32, #tpu.memory_space<vmem>>, %arg2: memref<128x128xf32, #tpu.memory_space<vmem>>, %arg3: memref<1x128xf32, #tpu.memory_space<vmem>>, %arg4: memref<2x1000x128xf32, #tpu.memory_space<vmem>>, %arg5: memref<1000x128xf32, #tpu.memory_space<vmem>>, %arg6: memref<1000x128xf32, #tpu.memory_space<vmem>>) attributes {dimension_semantics = [#tpu.dimension_semantics<arbitrary>], iteration_bounds = array<i64: 10>, scalar_prefetch = 0 : i64, scratch_operands = 0 : i64, tpu.core_type = #tpu.core_type<tc>, window_params = [{transform_indices = @transform_0, window_bounds = array<i64: 1000, 128>}, {pipeline_mode = #tpu.pipeline_mode<synchronous>, transform_indices = @transform_1, window_bounds = array<i64: 128, 128>}, {pipeline_mode = #tpu.pipeline_mode<synchronous>, transform_indices = @transform_2, window_bounds = array<i64: 1, 128>}, {transform_indices = @transform_3, window_bounds = array<i64: 2, 1000, 128>}, {transform_indices = @transform_4, window_bounds = array<i64: 1000, 128>}, {transform_indices = @transform_5, window_bounds = array<i64: 1000, 128>}]} {
    %get3A = arith.constant 0 : index
    %get3A_0 = arith.constant 0 : index
    %get3A_1 = vector.load %arg1[%get3A, %get3A_0] : memref<1000x128xf32, #tpu.memory_space<vmem>>, vector<1000x128xf32>
    %get3A_2 = arith.constant 0 : index
    %get3A_3 = arith.constant 0 : index
    %get3A_4 = vector.load %arg2[%get3A_2, %get3A_3] : memref<128x128xf32, #tpu.memory_space<vmem>>, vector<128x128xf32>
    %dot_general3A = arith.constant dense<0.000000e+00> : vector<1000x128xf32>
    %dot_general3A_5 = tpu.matmul %get3A_1, %get3A_4, %dot_general3A {dimension_numbers = #tpu.dot_dimension_numbers<[1], [0], [0], [1], [0, 0, 1, 1], [], []>, transpose_lhs_hint = false} : vector<1000x128xf32>, vector<128x128xf32>, vector<1000x128xf32> -> vector<1000x128xf32>
    %get3A_6 = arith.constant 0 : index
    %get3A_7 = arith.constant 0 : index
    %get3A_8 = vector.load %arg3[%get3A_6, %get3A_7] : memref<1x128xf32, #tpu.memory_space<vmem>>, vector<1x128xf32>
    %add3A = vector.broadcast %get3A_8 : vector<1x128xf32> to vector<1000x128xf32>
    %add3A_9 = arith.addf %dot_general3A_5, %add3A : vector<1000x128xf32>
    %swap3A = arith.constant 0 : index
    %swap3A_10 = arith.constant 0 : index
    %swap3A_11 = vector.load %arg5[%swap3A, %swap3A_10] : memref<1000x128xf32, #tpu.memory_space<vmem>>, vector<1000x128xf32>
    tpu.vector_store %arg5[%swap3A, %swap3A_10], %add3A_9 {strides = array<i32>} : memref<1000x128xf32, #tpu.memory_space<vmem>>, vector<1000x128xf32>,
    %get3A_12 = arith.constant 0 : index
    %get3A_13 = arith.constant 0 : index
    %get3A_14 = arith.constant 0 : index
    %get3A_15 = vector.load %arg4[%get3A_12, %get3A_13, %get3A_14] : memref<2x1000x128xf32, #tpu.memory_space<vmem>>, vector<1x1000x1xf32>
    %get3A_16 = vector.shape_cast %get3A_15 : vector<1x1000x1xf32> to vector<1000x1xf32>
    %get3A_17 = arith.constant 1 : index
    %get3A_18 = arith.constant 0 : index
    %get3A_19 = arith.constant 0 : index
    %get3A_20 = vector.load %arg4[%get3A_17, %get3A_18, %get3A_19] : memref<2x1000x128xf32, #tpu.memory_space<vmem>>, vector<1x1000x1xf32>
    %get3A_21 = vector.shape_cast %get3A_20 : vector<1x1000x1xf32> to vector<1000x1xf32>
    %add3A_22 = arith.addf %get3A_16, %get3A_21 : vector<1000x1xf32>
    %add3A_23 = arith.constant 1.000000e+00 : f32
    %add3A_24 = vector.broadcast %add3A_23 : f32 to vector<1000x1xf32>
    %add3A_25 = arith.addf %add3A_22, %add3A_24 : vector<1000x1xf32>
    %rsqrt3A = math.rsqrt %add3A_25 : vector<1000x1xf32>
    %mul3A = vector.broadcast %rsqrt3A : vector<1000x1xf32> to vector<1000x128xf32>
    %mul3A_26 = arith.mulf %add3A_9, %mul3A : vector<1000x128xf32>
    %swap3A_27 = arith.constant 0 : index
    %swap3A_28 = arith.constant 0 : index
    %swap3A_29 = vector.load %arg6[%swap3A_27, %swap3A_28] : memref<1000x128xf32, #tpu.memory_space<vmem>>, vector<1000x128xf32>
    tpu.vector_store %arg6[%swap3A_27, %swap3A_28], %mul3A_26 {strides = array<i32>} : memref<1000x128xf32, #tpu.memory_space<vmem>>, vector<1000x128xf32>,
    return
  }
  func.func @transform_0(%arg0: i32) -> (i32, i32) {
    %c0_i32 = arith.constant 0 : i32
    %c0_i32_0 = arith.constant 0 : i32
    return %arg0, %c0_i32 : i32, i32
  }
  func.func @transform_1(%arg0: i32) -> (i32, i32) {
    %c0_i32 = arith.constant 0 : i32
    %c0_i32_0 = arith.constant 0 : i32
    %c0_i32_1 = arith.constant 0 : i32
    return %c0_i32, %c0_i32_0 : i32, i32
  }
  func.func @transform_2(%arg0: i32) -> (i32, i32) {
    %c0_i32 = arith.constant 0 : i32
    %c0_i32_0 = arith.constant 0 : i32
    %c0_i32_1 = arith.constant 0 : i32
    return %c0_i32, %c0_i32_0 : i32, i32
  }
  func.func @transform_3(%arg0: i32) -> (i32, i32, i32) {
    %c0_i32 = arith.constant 0 : i32
    %c0_i32_0 = arith.constant 0 : i32
    %c0_i32_1 = arith.constant 0 : i32
    return %c0_i32, %arg0, %c0_i32_0 : i32, i32, i32
  }
  func.func @transform_4(%arg0: i32) -> (i32, i32) {
    %c0_i32 = arith.constant 0 : i32
    %c0_i32_0 = arith.constant 0 : i32
    return %arg0, %c0_i32 : i32, i32
  }
  func.func @transform_5(%arg0: i32) -> (i32, i32) {
    %c0_i32 = arith.constant 0 : i32
    %c0_i32_0 = arith.constant 0 : i32
    return %arg0, %c0_i32 : i32, i32
  }
}

module attributes {stable_mosaic.version = 14 : i64} {
  func.func @_layer_body(%arg0: i32, %arg1: memref<2x1000x128xf32, #tpu.memory_space<vmem>>, %arg2: memref<1000x128xf32, #tpu.memory_space<vmem>>, %arg3: memref<1000x128xf32, #tpu.memory_space<vmem>>, %arg4: memref<2x1000x128xf32, #tpu.memory_space<vmem>>, %arg5: memref<128x128xf32, #tpu.memory_space<vmem>>, %arg6: memref<1000x128xf32, #tpu.memory_space<vmem>>) attributes {dimension_semantics = [#tpu.dimension_semantics<arbitrary>], iteration_bounds = array<i64: 10>, scalar_prefetch = 0 : i64, scratch_operands = 0 : i64, tpu.core_type = #tpu.core_type<tc>, window_params = [{transform_indices = @transform_0, window_bounds = array<i64: 2, 1000, 128>}, {transform_indices = @transform_1, window_bounds = array<i64: 1000, 128>}, {transform_indices = @transform_2, window_bounds = array<i64: 1000, 128>}, {transform_indices = @transform_3, window_bounds = array<i64: 2, 1000, 128>}, {pipeline_mode = #tpu.pipeline_mode<synchronous>, transform_indices = @transform_4, window_bounds = array<i64: 128, 128>}, {transform_indices = @transform_5, window_bounds = array<i64: 1000, 128>}]} {
    %get3A = arith.constant 0 : index
    %get3A_0 = arith.constant 0 : index
    %get3A_1 = arith.constant 0 : index
    %get3A_2 = vector.load %arg4[%get3A, %get3A_0, %get3A_1] : memref<2x1000x128xf32, #tpu.memory_space<vmem>>, vector<1x1000x1xf32>
    %get3A_3 = vector.shape_cast %get3A_2 : vector<1x1000x1xf32> to vector<1000x1xf32>
    %get3A_4 = arith.constant 1 : index
    %get3A_5 = arith.constant 0 : index
    %get3A_6 = arith.constant 0 : index
    %get3A_7 = vector.load %arg4[%get3A_4, %get3A_5, %get3A_6] : memref<2x1000x128xf32, #tpu.memory_space<vmem>>, vector<1x1000x1xf32>
    %get3A_8 = vector.shape_cast %get3A_7 : vector<1x1000x1xf32> to vector<1000x1xf32>
    %add3A = arith.addf %get3A_3, %get3A_8 : vector<1000x1xf32>
    %add3A_9 = arith.constant 1.000000e+00 : f32
    %add3A_10 = vector.broadcast %add3A_9 : f32 to vector<1000x1xf32>
    %add3A_11 = arith.addf %add3A, %add3A_10 : vector<1000x1xf32>
    %rsqrt3A = math.rsqrt %add3A_11 : vector<1000x1xf32>
    %get3A_12 = arith.constant 0 : index
    %get3A_13 = arith.constant 0 : index
    %get3A_14 = arith.constant 0 : index
    %get3A_15 = vector.load %arg1[%get3A_12, %get3A_13, %get3A_14] : memref<2x1000x128xf32, #tpu.memory_space<vmem>>, vector<1x1000x128xf32>
    %get3A_16 = vector.shape_cast %get3A_15 : vector<1x1000x128xf32> to vector<1000x128xf32>
    %get3A_17 = arith.constant 1 : index
    %get3A_18 = arith.constant 0 : index
    %get3A_19 = arith.constant 0 : index
    %get3A_20 = vector.load %arg1[%get3A_17, %get3A_18, %get3A_19] : memref<2x1000x128xf32, #tpu.memory_space<vmem>>, vector<1x1000x128xf32>
    %get3A_21 = vector.shape_cast %get3A_20 : vector<1x1000x128xf32> to vector<1000x128xf32>
    %add3A_22 = arith.addf %get3A_16, %get3A_21 : vector<1000x128xf32>
    %get3A_23 = arith.constant 0 : index
    %get3A_24 = arith.constant 0 : index
    %get3A_25 = vector.load %arg2[%get3A_23, %get3A_24] : memref<1000x128xf32, #tpu.memory_space<vmem>>, vector<1000x128xf32>
    %add3A_26 = arith.addf %add3A_22, %get3A_25 : vector<1000x128xf32>
    %mul3A = vector.broadcast %rsqrt3A : vector<1000x1xf32> to vector<1000x128xf32>
    %mul3A_27 = arith.mulf %add3A_26, %mul3A : vector<1000x128xf32>
    %mul3A_28 = arith.constant 5.000000e-01 : f32
    %mul3A_29 = vector.broadcast %mul3A_28 : f32 to vector<1000x128xf32>
    %mul3A_30 = arith.mulf %mul3A_29, %mul3A_27 : vector<1000x128xf32>
    %get3A_31 = arith.constant 0 : index
    %get3A_32 = arith.constant 0 : index
    %get3A_33 = vector.load %arg3[%get3A_31, %get3A_32] : memref<1000x128xf32, #tpu.memory_space<vmem>>, vector<1000x128xf32>
    %mul3A_34 = arith.constant 5.000000e-01 : f32
    %mul3A_35 = vector.broadcast %mul3A_34 : f32 to vector<1000x128xf32>
    %mul3A_36 = arith.mulf %mul3A_35, %get3A_33 : vector<1000x128xf32>
    %add3A_37 = arith.addf %mul3A_30, %mul3A_36 : vector<1000x128xf32>
    %mul3A_38 = arith.constant 0.306852818 : f32
    %mul3A_39 = vector.broadcast %mul3A_38 : f32 to vector<1000x128xf32>
    %mul3A_40 = arith.mulf %mul3A_39, %add3A_37 : vector<1000x128xf32>
    %get3A_41 = arith.constant 0 : index
    %get3A_42 = arith.constant 0 : index
    %get3A_43 = vector.load %arg5[%get3A_41, %get3A_42] : memref<128x128xf32, #tpu.memory_space<vmem>>, vector<128x128xf32>
    %dot_general3A = arith.constant dense<0.000000e+00> : vector<1000x128xf32>
    %dot_general3A_44 = tpu.matmul %add3A_37, %get3A_43, %dot_general3A {dimension_numbers = #tpu.dot_dimension_numbers<[1], [0], [0], [1], [0, 0, 1, 1], [], []>, transpose_lhs_hint = false} : vector<1000x128xf32>, vector<128x128xf32>, vector<1000x128xf32> -> vector<1000x128xf32>
    %mul3A_45 = arith.constant 0.693147182 : f32
    %mul3A_46 = vector.broadcast %mul3A_45 : f32 to vector<1000x128xf32>
    %mul3A_47 = arith.mulf %mul3A_46, %dot_general3A_44 : vector<1000x128xf32>
    %add3A_48 = arith.addf %mul3A_40, %mul3A_47 : vector<1000x128xf32>
    %max3A = arith.constant 0.000000e+00 : f32
    %max3A_49 = vector.broadcast %max3A : f32 to vector<1000x128xf32>
    %max3A_50 = arith.maximumf %add3A_48, %max3A_49 : vector<1000x128xf32>
    %mul3A_51 = vector.broadcast %rsqrt3A : vector<1000x1xf32> to vector<1000x128xf32>
    %mul3A_52 = arith.mulf %max3A_50, %mul3A_51 : vector<1000x128xf32>
    %swap3A = arith.constant 0 : index
    %swap3A_53 = arith.constant 0 : index
    %swap3A_54 = vector.load %arg6[%swap3A, %swap3A_53] : memref<1000x128xf32, #tpu.memory_space<vmem>>, vector<1000x128xf32>
    tpu.vector_store %arg6[%swap3A, %swap3A_53], %mul3A_52 {strides = array<i32>} : memref<1000x128xf32, #tpu.memory_space<vmem>>, vector<1000x128xf32>,
    return
  }
  func.func @transform_0(%arg0: i32) -> (i32, i32, i32) {
    %c0_i32 = arith.constant 0 : i32
    %c0_i32_0 = arith.constant 0 : i32
    %c0_i32_1 = arith.constant 0 : i32
    return %c0_i32, %arg0, %c0_i32_0 : i32, i32, i32
  }
  func.func @transform_1(%arg0: i32) -> (i32, i32) {
    %c0_i32 = arith.constant 0 : i32
    %c0_i32_0 = arith.constant 0 : i32
    return %arg0, %c0_i32 : i32, i32
  }
  func.func @transform_2(%arg0: i32) -> (i32, i32) {
    %c0_i32 = arith.constant 0 : i32
    %c0_i32_0 = arith.constant 0 : i32
    return %arg0, %c0_i32 : i32, i32
  }
  func.func @transform_3(%arg0: i32) -> (i32, i32, i32) {
    %c0_i32 = arith.constant 0 : i32
    %c0_i32_0 = arith.constant 0 : i32
    %c0_i32_1 = arith.constant 0 : i32
    return %c0_i32, %arg0, %c0_i32_0 : i32, i32, i32
  }
  func.func @transform_4(%arg0: i32) -> (i32, i32) {
    %c0_i32 = arith.constant 0 : i32
    %c0_i32_0 = arith.constant 0 : i32
    %c0_i32_1 = arith.constant 0 : i32
    return %c0_i32, %c0_i32_0 : i32, i32
  }
  func.func @transform_5(%arg0: i32) -> (i32, i32) {
    %c0_i32 = arith.constant 0 : i32
    %c0_i32_0 = arith.constant 0 : i32
    return %arg0, %c0_i32 : i32, i32
  }
}

module attributes {stable_mosaic.version = 14 : i64} {
  func.func @_layer_body(%arg0: i32, %arg1: memref<2x1000x128xf32, #tpu.memory_space<vmem>>, %arg2: memref<1000x128xf32, #tpu.memory_space<vmem>>, %arg3: memref<1000x128xf32, #tpu.memory_space<vmem>>, %arg4: memref<2x1000x128xf32, #tpu.memory_space<vmem>>, %arg5: memref<128x128xf32, #tpu.memory_space<vmem>>, %arg6: memref<128x128xf32, #tpu.memory_space<vmem>>, %arg7: memref<1x128xf32, #tpu.memory_space<vmem>>, %arg8: memref<1000x128xf32, #tpu.memory_space<vmem>>) attributes {dimension_semantics = [#tpu.dimension_semantics<arbitrary>], iteration_bounds = array<i64: 10>, scalar_prefetch = 0 : i64, scratch_operands = 0 : i64, tpu.core_type = #tpu.core_type<tc>, window_params = [{transform_indices = @transform_0, window_bounds = array<i64: 2, 1000, 128>}, {transform_indices = @transform_1, window_bounds = array<i64: 1000, 128>}, {transform_indices = @transform_2, window_bounds = array<i64: 1000, 128>}, {transform_indices = @transform_3, window_bounds = array<i64: 2, 1000, 128>}, {pipeline_mode = #tpu.pipeline_mode<synchronous>, transform_indices = @transform_4, window_bounds = array<i64: 128, 128>}, {pipeline_mode = #tpu.pipeline_mode<synchronous>, transform_indices = @transform_5, window_bounds = array<i64: 128, 128>}, {pipeline_mode = #tpu.pipeline_mode<synchronous>, transform_indices = @transform_6, window_bounds = array<i64: 1, 128>}, {transform_indices = @transform_7, window_bounds = array<i64: 1000, 128>}]} {
    %get3A = arith.constant 0 : index
    %get3A_0 = arith.constant 0 : index
    %get3A_1 = arith.constant 0 : index
    %get3A_2 = vector.load %arg4[%get3A, %get3A_0, %get3A_1] : memref<2x1000x128xf32, #tpu.memory_space<vmem>>, vector<1x1000x1xf32>
    %get3A_3 = vector.shape_cast %get3A_2 : vector<1x1000x1xf32> to vector<1000x1xf32>
    %get3A_4 = arith.constant 1 : index
    %get3A_5 = arith.constant 0 : index
    %get3A_6 = arith.constant 0 : index
    %get3A_7 = vector.load %arg4[%get3A_4, %get3A_5, %get3A_6] : memref<2x1000x128xf32, #tpu.memory_space<vmem>>, vector<1x1000x1xf32>
    %get3A_8 = vector.shape_cast %get3A_7 : vector<1x1000x1xf32> to vector<1000x1xf32>
    %add3A = arith.addf %get3A_3, %get3A_8 : vector<1000x1xf32>
    %add3A_9 = arith.constant 1.000000e+00 : f32
    %add3A_10 = vector.broadcast %add3A_9 : f32 to vector<1000x1xf32>
    %add3A_11 = arith.addf %add3A, %add3A_10 : vector<1000x1xf32>
    %rsqrt3A = math.rsqrt %add3A_11 : vector<1000x1xf32>
    %get3A_12 = arith.constant 0 : index
    %get3A_13 = arith.constant 0 : index
    %get3A_14 = arith.constant 0 : index
    %get3A_15 = vector.load %arg1[%get3A_12, %get3A_13, %get3A_14] : memref<2x1000x128xf32, #tpu.memory_space<vmem>>, vector<1x1000x128xf32>
    %get3A_16 = vector.shape_cast %get3A_15 : vector<1x1000x128xf32> to vector<1000x128xf32>
    %get3A_17 = arith.constant 1 : index
    %get3A_18 = arith.constant 0 : index
    %get3A_19 = arith.constant 0 : index
    %get3A_20 = vector.load %arg1[%get3A_17, %get3A_18, %get3A_19] : memref<2x1000x128xf32, #tpu.memory_space<vmem>>, vector<1x1000x128xf32>
    %get3A_21 = vector.shape_cast %get3A_20 : vector<1x1000x128xf32> to vector<1000x128xf32>
    %add3A_22 = arith.addf %get3A_16, %get3A_21 : vector<1000x128xf32>
    %get3A_23 = arith.constant 0 : index
    %get3A_24 = arith.constant 0 : index
    %get3A_25 = vector.load %arg2[%get3A_23, %get3A_24] : memref<1000x128xf32, #tpu.memory_space<vmem>>, vector<1000x128xf32>
    %add3A_26 = arith.addf %add3A_22, %get3A_25 : vector<1000x128xf32>
    %mul3A = vector.broadcast %rsqrt3A : vector<1000x1xf32> to vector<1000x128xf32>
    %mul3A_27 = arith.mulf %add3A_26, %mul3A : vector<1000x128xf32>
    %mul3A_28 = arith.constant 5.000000e-01 : f32
    %mul3A_29 = vector.broadcast %mul3A_28 : f32 to vector<1000x128xf32>
    %mul3A_30 = arith.mulf %mul3A_29, %mul3A_27 : vector<1000x128xf32>
    %get3A_31 = arith.constant 0 : index
    %get3A_32 = arith.constant 0 : index
    %get3A_33 = vector.load %arg3[%get3A_31, %get3A_32] : memref<1000x128xf32, #tpu.memory_space<vmem>>, vector<1000x128xf32>
    %mul3A_34 = arith.constant 5.000000e-01 : f32
    %mul3A_35 = vector.broadcast %mul3A_34 : f32 to vector<1000x128xf32>
    %mul3A_36 = arith.mulf %mul3A_35, %get3A_33 : vector<1000x128xf32>
    %add3A_37 = arith.addf %mul3A_30, %mul3A_36 : vector<1000x128xf32>
    %mul3A_38 = arith.constant 0.594534874 : f32
    %mul3A_39 = vector.broadcast %mul3A_38 : f32 to vector<1000x128xf32>
    %mul3A_40 = arith.mulf %mul3A_39, %add3A_37 : vector<1000x128xf32>
    %get3A_41 = arith.constant 0 : index
    %get3A_42 = arith.constant 0 : index
    %get3A_43 = vector.load %arg5[%get3A_41, %get3A_42] : memref<128x128xf32, #tpu.memory_space<vmem>>, vector<128x128xf32>
    %dot_general3A = arith.constant dense<0.000000e+00> : vector<1000x128xf32>
    %dot_general3A_44 = tpu.matmul %add3A_37, %get3A_43, %dot_general3A {dimension_numbers = #tpu.dot_dimension_numbers<[1], [0], [0], [1], [0, 0, 1, 1], [], []>, transpose_lhs_hint = false} : vector<1000x128xf32>, vector<128x128xf32>, vector<1000x128xf32> -> vector<1000x128xf32>
    %mul3A_45 = arith.constant 0.405465096 : f32
    %mul3A_46 = vector.broadcast %mul3A_45 : f32 to vector<1000x128xf32>
    %mul3A_47 = arith.mulf %mul3A_46, %dot_general3A_44 : vector<1000x128xf32>
    %add3A_48 = arith.addf %mul3A_40, %mul3A_47 : vector<1000x128xf32>
    %max3A = arith.constant 0.000000e+00 : f32
    %max3A_49 = vector.broadcast %max3A : f32 to vector<1000x128xf32>
    %max3A_50 = arith.maximumf %add3A_48, %max3A_49 : vector<1000x128xf32>
    %get3A_51 = arith.constant 0 : index
    %get3A_52 = arith.constant 0 : index
    %get3A_53 = vector.load %arg6[%get3A_51, %get3A_52] : memref<128x128xf32, #tpu.memory_space<vmem>>, vector<128x128xf32>
    %dot_general3A_54 = arith.constant dense<0.000000e+00> : vector<1000x128xf32>
    %dot_general3A_55 = tpu.matmul %max3A_50, %get3A_53, %dot_general3A_54 {dimension_numbers = #tpu.dot_dimension_numbers<[1], [0], [0], [1], [0, 0, 1, 1], [], []>, transpose_lhs_hint = false} : vector<1000x128xf32>, vector<128x128xf32>, vector<1000x128xf32> -> vector<1000x128xf32>
    %get3A_56 = arith.constant 0 : index
    %get3A_57 = arith.constant 0 : index
    %get3A_58 = vector.load %arg7[%get3A_56, %get3A_57] : memref<1x128xf32, #tpu.memory_space<vmem>>, vector<1x128xf32>
    %add3A_59 = vector.broadcast %get3A_58 : vector<1x128xf32> to vector<1000x128xf32>
    %add3A_60 = arith.addf %dot_general3A_55, %add3A_59 : vector<1000x128xf32>
    %swap3A = arith.constant 0 : index
    %swap3A_61 = arith.constant 0 : index
    %swap3A_62 = vector.load %arg8[%swap3A, %swap3A_61] : memref<1000x128xf32, #tpu.memory_space<vmem>>, vector<1000x128xf32>
    tpu.vector_store %arg8[%swap3A, %swap3A_61], %add3A_60 {strides = array<i32>} : memref<1000x128xf32, #tpu.memory_space<vmem>>, vector<1000x128xf32>,
    return
  }
  func.func @transform_0(%arg0: i32) -> (i32, i32, i32) {
    %c0_i32 = arith.constant 0 : i32
    %c0_i32_0 = arith.constant 0 : i32
    %c0_i32_1 = arith.constant 0 : i32
    return %c0_i32, %arg0, %c0_i32_0 : i32, i32, i32
  }
  func.func @transform_1(%arg0: i32) -> (i32, i32) {
    %c0_i32 = arith.constant 0 : i32
    %c0_i32_0 = arith.constant 0 : i32
    return %arg0, %c0_i32 : i32, i32
  }
  func.func @transform_2(%arg0: i32) -> (i32, i32) {
    %c0_i32 = arith.constant 0 : i32
    %c0_i32_0 = arith.constant 0 : i32
    return %arg0, %c0_i32 : i32, i32
  }
  func.func @transform_3(%arg0: i32) -> (i32, i32, i32) {
    %c0_i32 = arith.constant 0 : i32
    %c0_i32_0 = arith.constant 0 : i32
    %c0_i32_1 = arith.constant 0 : i32
    return %c0_i32, %arg0, %c0_i32_0 : i32, i32, i32
  }
  func.func @transform_4(%arg0: i32) -> (i32, i32) {
    %c0_i32 = arith.constant 0 : i32
    %c0_i32_0 = arith.constant 0 : i32
    %c0_i32_1 = arith.constant 0 : i32
    return %c0_i32, %c0_i32_0 : i32, i32
  }
  func.func @transform_5(%arg0: i32) -> (i32, i32) {
    %c0_i32 = arith.constant 0 : i32
    %c0_i32_0 = arith.constant 0 : i32
    %c0_i32_1 = arith.constant 0 : i32
    return %c0_i32, %c0_i32_0 : i32, i32
  }
  func.func @transform_6(%arg0: i32) -> (i32, i32) {
    %c0_i32 = arith.constant 0 : i32
    %c0_i32_0 = arith.constant 0 : i32
    %c0_i32_1 = arith.constant 0 : i32
    return %c0_i32, %c0_i32_0 : i32, i32
  }
  func.func @transform_7(%arg0: i32) -> (i32, i32) {
    %c0_i32 = arith.constant 0 : i32
    %c0_i32_0 = arith.constant 0 : i32
    return %arg0, %c0_i32 : i32, i32
  }
}

</mosaic_0001>

<sc_bundles>
// kernel: kernel.11.cloned.1.call-start
scs
__scs_entry_jumppad:
0x0: {  	(pc) =	sbr.rel $0x88, $3  }
0x1: {  	(tag) =	ssettag $0x0;
	lr =	simm.s32 $0x1  }
0x2: {  	[smem:$0x3F99] =	sst lr;
	_ =	strace $0xD0000000  }
0x3: {  	_ = 	snop  }
0x4: {  	_ = 	snop  }
0x5: {  	_ = 	snop  }
0x6: {  	_ = 	snop  }
0x7: {  	_ = 	snop  }
__scs_overlays_trampoline_lowered:
0x8: {  	[smem:$0x3FA8] =	sst s0  }
0x9: {  	[smem:$0x3FA9] =	sst s1  }
0xa: {  	[smem:$0x3FAA] =	sst s2  }
0xb: {  	[smem:$0x3FAB] =	sst s3  }
0xc: {  	[smem:$0x3FAC] =	sst s4  }
0xd: {  	[smem:$0x3FAD] =	sst s5  }
0xe: {  	[smem:$0x3FAE] =	sst s6  }
0xf: {  	[smem:$0x3FAF] =	sst s7  }
0x10: {  	[smem:$0x3FB0] =	sst s8  }
0x11: {  	[smem:$0x3FB1] =	sst s9;
	s0 =	simm.s32 @!p0 $0x0  }
0x12: {  	s1 =	sld [smem:$0x3F97];
	s0 =	simm.s32 @p0 $0x1  }
0x13: {  	[smem:$0x3FB2] =	sst s0;
	s0 =	simm.s32 @!p1 $0x0  }
0x14: {  	s2 =	sld [smem:$0x3F96];
	s0 =	simm.s32 @p1 $0x1  }
0x15: {  	[smem:$0x3FB3] =	sst s0;
	s0 =	simm.s32 @!p2 $0x0  }
0x16: {  	s3 =	sld [smem:$0x3FDB];
	s0 =	simm.s32 @p2 $0x1  }
0x17: {  	s4 =	simm.s32 $0x1BF5;
	[smem:$0x3FB5] =	sst s0  }
0x18: {  	s0 =	sld [smem:$0x3F98];
	_ =	swait.ge [sflag:s4], $0x0  }
0x19: {  	s7 =	sld [smem:$0x3F99]  }
0x1a: {  	s8 =	sadd.s32 $0xFFFFE003, lr  }
0x1b: {  	s9 =	sadd.s32 $0xFFFFFEF7, lr;
	s5 =	simm.s32 $0xFFFFFFFF;
	p2 =	slt.u32 s8, $0xFFFFF086  }
0x1c: {  	p1 =	slt.u32 s9, $0xF7A;
	s5 =	simm.s32 @!p2 $0x0  }
0x1d: {  	s5 =	simm.s32 @p1 $0x1;
	p0 =	seq.s32 s7, s2  }
0x1e: {  	s7 =	smul.u32 @!p0 $0xF7A, s2;
	p2 =	seq.s32 @!p0 s5, $0x0  }
0x1f: {  	s9 =	smul.u32 $0xF7A, s1;
	s8 =	simm.s32 @!p0 $0x1BF5;
	p2 =	por !p2, p0  }
0x20: {  	[sflag:s8] =	ssyncset.s32 @!p0 $0xFFFFF086;
	s6 =	sadd.s32 @!p0 s3, s7;
	s7 =	simm.s32 @!p0 $0x108  }
0x21: {  	s3 =	sadd.s32 s3, s9;
	s6 =	sadd.s32 @!p0 $0x88, s6;
	s7 =	simm.s32 @p2 $0x1082  }
0x22: {  	[simem:s7], [sflag:s8] =	dma.local @!p0 [hbm:s6], $0xF7A  }
0x23: {  	s9 =	sor.u32 $0xD0000000, s2;
	s6 =	simm.s32 $0x108;
	_ =	swait.ge @!p0 [sflag:s8], $0x0  }
0x24: {  	s3 =	sadd.s32 $0x88, s3;
	s6 =	simm.s32 @!p1 $0x1082;
	[sflag:s4] =	ssyncset.s32 $0xFFFFF086  }
0x25: {  	[simem:s6], [sflag:s4] =	dma.local [hbm:s3], $0xF7A  }
0x26: {  	[smem:$0x3F99] =	sst s1;
	(tag) =	ssettag s2;
	_ =	strace s9  }
0x27: {  	s1 =	sld [smem:$0x3FA9]  }
0x28: {  	s2 =	sld [smem:$0x3FAA]  }
0x29: {  	s4 =	sld [smem:$0x3FAC]  }
0x2a: {  	p0 =	seq.s32 s5, $0x0;
	s5 =	sld [smem:$0x3FAD]  }
0x2b: {  	s6 =	sld [smem:$0x3FAE]  }
0x2c: {  	s7 =	sld [smem:$0x3FAF]  }
0x2d: {  	s3 =	simm.s32 $0x108;
	s8 =	sld [smem:$0x3FB0]  }
0x2e: {  	s3 =	simm.s32 @!p0 $0x1082;
	s9 =	sld [smem:$0x3FB1]  }
0x2f: {  	lr =	sadd.s32 s0, s3;
	s0 =	sld [smem:$0x3FA8]  }
0x30: {  	s3 =	sld [smem:$0x3FAB]  }
0x31: {  	[smem:$0x3FB4] =	sst s10  }
0x32: {  	s10 =	sld [smem:$0x3FB2];
	_ =	sdelay $0x3  }
0x33: {  	p0 =	seq.s32 s10, $0x1;
	s10 =	sld [smem:$0x3FB4];
	_ =	sdelay $0x3  }
0x34: {  	[smem:$0x3FB4] =	sst s10  }
0x35: {  	s10 =	sld [smem:$0x3FB3];
	_ =	sdelay $0x3  }
0x36: {  	p1 =	seq.s32 s10, $0x1;
	s10 =	sld [smem:$0x3FB4];
	_ =	sdelay $0x3  }
0x37: {  	[smem:$0x3FB4] =	sst s10  }
0x38: {  	s10 =	sld [smem:$0x3FB5]  }
0x39: {  	_ = 	snop;
	(pc) =	sbr.ind lr, $3  }
0x3a: {  	_ = 	snop  }
0x3b: {  	_ = 	snop  }
0x3c: {  	p2 =	seq.s32 s10, $0x1;
	s10 =	sld [smem:$0x3FB4]  }
0x3d: {  	_ =	shalt  }
0x3e: {  	_ =	shalt  }
0x3f: {  	_ =	shalt  }
0x40: {  	_ =	shalt  }
0x41: {  	_ =	shalt  }
0x42: {  	_ =	shalt  }
0x43: {  	_ =	shalt  }
0x44: {  	_ =	shalt  }
0x45: {  	_ =	shalt  }
0x46: {  	_ =	shalt  }
0x47: {  	_ =	shalt  }
0x48: {  	_ =	shalt  }
0x49: {  	_ =	shalt  }
0x4a: {  	_ =	shalt  }
0x4b: {  	_ =	shalt  }
0x4c: {  	_ =	shalt  }
0x4d: {  	_ =	shalt  }
0x4e: {  	_ =	shalt  }
0x4f: {  	_ =	shalt  }
0x50: {  	_ =	shalt  }
0x51: {  	_ =	shalt  }
0x52: {  	_ =	shalt  }
0x53: {  	_ =	shalt  }
0x54: {  	_ =	shalt  }
0x55: {  	_ =	shalt  }
0x56: {  	_ =	shalt  }
0x57: {  	_ =	shalt  }
0x58: {  	_ =	shalt  }
0x59: {  	_ =	shalt  }
0x5a: {  	_ =	shalt  }
0x5b: {  	_ =	shalt  }
0x5c: {  	_ =	shalt  }
0x5d: {  	_ =	shalt  }
0x5e: {  	_ =	shalt  }
0x5f: {  	_ =	shalt  }
0x60: {  	_ =	shalt  }
0x61: {  	_ =	shalt  }
0x62: {  	_ =	shalt  }
0x63: {  	_ =	shalt  }
0x64: {  	_ =	shalt  }
0x65: {  	_ =	shalt  }
0x66: {  	_ =	shalt  }
0x67: {  	_ =	shalt  }
0x68: {  	_ =	shalt  }
0x69: {  	_ =	shalt  }
0x6a: {  	_ =	shalt  }
0x6b: {  	_ =	shalt  }
0x6c: {  	_ =	shalt  }
0x6d: {  	_ =	shalt  }
0x6e: {  	_ =	shalt  }
0x6f: {  	_ =	shalt  }
0x70: {  	_ =	shalt  }
0x71: {  	_ =	shalt  }
0x72: {  	_ =	shalt  }
0x73: {  	_ =	shalt  }
0x74: {  	_ =	shalt  }
0x75: {  	_ =	shalt  }
0x76: {  	_ =	shalt  }
0x77: {  	_ =	shalt  }
0x78: {  	_ =	shalt  }
0x79: {  	_ =	shalt  }
0x7a: {  	_ =	shalt  }
0x7b: {  	_ =	shalt  }
0x7c: {  	_ =	shalt  }
0x7d: {  	_ =	shalt  }
0x7e: {  	_ =	shalt  }
0x7f: {  	_ =	shalt  }
0x80: {  	_ =	shalt  }
0x81: {  	_ =	shalt  }
0x82: {  	_ =	shalt  }
0x83: {  	_ =	shalt  }
0x84: {  	_ =	shalt  }
0x85: {  	_ =	shalt  }
0x86: {  	_ =	shalt  }
0x87: {  	_ =	shalt  }
.Lfunc_end0:
.L_simem_size_0:
called_computation.1_lowered:
.L_overlay_start_0:
0x88: {  	s2 =	sld [smem:$0x3FD9]  }
0x89: {  	s3 =	sld [smem:$0x3FFE];
	_ =	sdelay $0x1  }
0x8a: {  	s1 =	srdreg.scid  }
0x8b: {  	s0 =	sand.u32 $0x1, s1  }
0x8c: {  	s17 =	sshll.u32 s0, $0xA;
	s2 =	sadd.s32 s3, s2  }
0x8d: {  	s2 =	sadd.s32 s2, s17  }
0x8e: {  	[smem:$0x3FC0] =	sst s2  }
0x8f: {  	_ = 	snop  }
0x90: {  	s2 =	sld [smem:$0x3FD0];
	(tm) =	ssettm $0x1  }
0x91: {  	s18 =	sld [smem:$0x3FFB];
	_ =	sdelay $0x3  }
0x92: {  	_ =	strace s18  }
0x93: {  	s3 =	sld [smem:$0x3FFC];
	_ =	sdelay $0x3  }
0x94: {  	_ =	strace s3  }
0x95: {  	s3 =	sld [smem:$0x3FFD];
	_ =	sdelay $0x3  }
0x96: {  	_ =	strace s3  }
0x97: {  	_ =	strace $0x8FFFFFFF  }
0x98: {  	s19 =	sld [smem:$0x3FDB];
	_ =	sdelay $0x1  }
0x99: {  	s4 =	simm.s32 $_scs_section_size  }
0x9a: {  	s5 =	simm.s32 $_size__tile_overlayer_lowered;
	s6 =	simm.s32 $_tile_overlayer_lowered  }
0x9b: {  	s22 =	simm.s32 $0x1BFF;
	s21 =	sshll.u32 s6, $0x1;
	s3 =	sadd.s32 s4, s19  }
0x9c: {  	s7 =	simm.s32 $0x0;
	s20 =	sshll.u32 s5, $0x1;
	s5 =	sadd.s32 s21, s3  }
0x9d: {  	[timem:s7], [sflag:s22] =	dma.local [hbm:s5], s20  }
0x9e: {  	_ =	swait.ge [sflag:s22], s20  }
0x9f: {  	s4 =	ssub.s32 $0x0, s20;
	[sflag:s22] =	ssyncset.done $0x0  }
0xa0: {  	[sflag:s22] =	ssyncadd.s32 s4;
	_ =	sdelay $0x1  }
0xa1: {  	s23 =	simm.s32 $0x1B8B  }
0xa2: {  	_ =	swait.ge [sflag:s23], $0x1  }
0xa3: {  	[sflag:s23] =	ssyncset.done $0x0  }
0xa4: {  	s25 =	simm.s32 $0x1B8E;
	s24 =	sld [smem:$0x3FFE];
	[sflag:s23] =	ssyncadd.s32 $0xFFFFFFFF  }
0xa5: {  	s26 =	simm.s32 $execute0_lowered;
	[smem:$0x3FD2] =	sst s25  }
0xa6: {  	s5 =	sshll.u32 s26, $0x1;
	_ =	strace $0x80000049;
	[dreg:$0x1] =	wrdreg $0xFFFFFFFF  }
0xa7: {  	s28 =	simm.s32 $_size_execute0_lowered;
	s3 =	sadd.s32 s3, s5;
	[dreg:$0x0] =	wrdreg $0x0  }
0xa8: {  	s5 =	sshll.u32 s28, $0x1;
	[dreg:$0x2] =	wrdreg s3  }
0xa9: {  	[dreg:$0x3] =	wrdreg s5  }
0xaa: {  	[dreg:$0x4] =	wrdreg $0xC0  }
0xab: {  	_ =	task [dreg:s7], $0x5FFFF  }
0xac: {  	[dreg:$0x1] =	wrdreg $0xFFFFFFFF  }
0xad: {  	[dreg:$0x0] =	wrdreg $0x60  }
0xae: {  	[dreg:$0x2] =	wrdreg s24  }
0xaf: {  	[dreg:$0x3] =	wrdreg s2  }
0xb0: {  	[dreg:$0x4] =	wrdreg $0xA8000  }
0xb1: {  	[dreg:$0x5] =	wrdreg $0x9  }
0xb2: {  	_ =	task.clear_ibuf [dreg:s7], $0x6FFFF;
	_ =	strace $0x90000049  }
0xb3: {  	s29 =	simm.s32 $0x9;
	_ =	strace $0x8000004B  }
0xb4: {  	_ =	swait.ge [sflag:s29], $0x1  }
0xb5: {  	[sflag:s29] =	ssyncadd.s32 $0xFFFFFFFF  }
0xb6: {  	_ =	strace $0x9000004B  }
0xb7: {  	_ =	sfence  }
0xb8: {  	s30 =	sld [smem:$0x0];
	_ =	sdelay $0x2  }
0xb9: {  	s31 =	sshll.u32 s1, $0xD;
	s1 =	sshrl.u32 s1, $0x2  }
0xba: {  	s3 =	sand.u32 $0x4000, s31;
	s1 =	sadd.s32 s1, s30  }
0xbb: {  	s0 =	sor.u32 s3, s0;
	s1 =	sshll.u32 s1, $0x11  }
0xbc: {  	s0 =	sor.u32 s1, s0  }
0xbd: {  	s0 =	sadd.s32 $0x8F2B, s0  }
0xbe: {  	[sflag:s0] =	ssyncadd.remote.s32 $0x1  }
0xbf: {  	_ =	sfence.sel $0xFFFF  }
0xc0: {  	[dreg:$0x0] =	wrdreg $0xFFFFFFFF;
	(pc) =	sbr.abs _section_cstart, $3  }
0xc1: {  	[dreg:$0x1] =	wrdreg $0xFFFFFFFF  }
0xc2: {  	_ =	task.clear_ibuf [dreg:s7], $0x2FFFF;
	_ =	strace $0x9FFFFFFF  }
0xc3: {  	(tm) =	ssettm $0x7FFFFFFF  }
tec
execute0_lowered:
.L_overlay_start_1:
0x0: {  	(tag) =	ssettag $0x1  }
0x1: {  	s6 =	rddreg [dreg:$0x0]  }
0x2: {  	s1 =	rddreg [dreg:$0x1]  }
0x3: {  	s2 =	rddreg [dreg:$0x2];
	s3 =	srdreg.scid  }
0x4: {  	s0 =	rddreg [dreg:$0x3];
	s4 =	simm.s32 $0x0;
	s15 =	simm.s32 $0x1400  }
0x5: {  	s16 =	simm.s32 $0x7D;
	s17 =	simm.s32 $0x2800;
	s18 =	simm.s32 $0x80  }
0x6: {  	s19 =	simm.s32 $0x6800;
	s20 =	simm.s32 $0x1;
	s21 =	simm.s32 $0x2  }
0x7: {  	s22 =	simm.s32 $0x2700;
	s23 =	simm.s32 $0x2780;
	s24 =	simm.s32 $0x0  }
0x8: {  	s7 =	sand.u32 $0x1, s3;
	s3 =	stileid.u32;
	[smem:$0x7FF] =	sst s4  }
0x9: {  	s11 =	sadd.s32 $0x5F200, s6;
	s12 =	sadd.s32 $0x2A00, s6;
	s8 =	smul.u32 $0x140000, s7  }
0xa: {  	s5 =	sadd.s32 $0xCA00, s6;
	s9 =	smul.u32 $0x14000, s3;
	_ =	strace $0x8000004A  }
0xb: {  	s26 =	sshll.u32 s3, $0x1;
	s10 =	smul.u32 $0x50000, s3;
	s28 =	ssub.s32 $0x2, s7  }
0xc: {  	s30 =	sshll.u32 s3, $0x6;
	s7 =	sor.u32 s7, s26;
	s29 =	sshrl.u32 s28, $0x1  }
0xd: {  	s8 =	sadd.s32 s9, s8;
	s10 =	sshrl.u32 s10, $0x2;
	s13 =	smul.u32 $0x2800, s7  }
0xe: {  	s9 =	ssub.s32 s28, s29;
	s8 =	sshrl.u32 s8, $0x3;
	s14 =	sadd.s32 s10, s2  }
0xf: {  	s8 =	sadd.s32 s8, s6;
	s6 =	sor.u32 $0x1C03, s30;
	s31 =	sshrl.u32 s13, $0x3  }
0x10: {  	s7 =	sadd.s32 $0x69200, s8;
	s8 =	smax.u32 s9, $0x1;
	s13 =	sadd.s32 $0x280, s31  }
0x11: {  	s9 =	sadd.s32 s11, s31;
	s10 =	sadd.s32 s12, s31;
	s11 =	sadd.s32 s11, s13  }
0x12: {  	s12 =	sadd.s32 s12, s13;
	s13 =	sshrl.u32 s14, $0x3;
	s14 =	simm.s32 $0x3  }
.LBB2_1:
0x13: {  	[spmem:s13], [sflag:s6] =	dma.local [hbm:s5], $0x2800  }
0x14: {  	_ =	swait.ge [sflag:s14], $0x2800  }
0x15: {  	[sflag:s14] =	ssyncset.done $0x0  }
0x16: {  	[sflag:s14] =	ssyncadd.s32 $0xFFFFD800  }
0x17: {  	[bflag:$0x0] =	sbarrier.arrive $0xFFFF  }
0x18: {  	[tilespmem:s4], [sflag:$0x3] =	stream.linear.gather [hbm4b:s9+s4], $0x1400, $0x38;
	[tilespmem:$0x1E800] =	vst v63  }
0x19: {  	_ =	swait.ge [sflag:s14], $0x1400  }
0x1a: {  	[sflag:s14] =	ssyncset.done $0x0  }
0x1b: {  	[sflag:s14] =	ssyncadd.s32 $0xFFFFEC00  }
0x1c: {  	[tilespmem:s15], [sflag:$0x3] =	stream.linear.gather [hbm4b:s10+s4], $0x1400, $0x38;
	[tilespmem:$0x1E800] =	vst v63  }
0x1d: {  	_ =	swait.ge [sflag:s14], $0x1400  }
0x1e: {  	[sflag:s14] =	ssyncset.done $0x0  }
0x1f: {  	[sflag:s14] =	ssyncadd.s32 $0xFFFFEC00  }
0x20: {  	[tilespmem:s17], [sflag:$0x1] =	stream.indirect.gather [hbm4b:s1+s16], $0x80, s4, s16, $0xb8;
	[tilespmem:$0x1E800] =	vst v63  }
0x21: {  	_ = 	snop  }
0x22: {  	[tilespmem:s19], [sflag:$0x2] =	stream.indirect.gather [hbm4b:s1+s16], $0x80, s18, s16, $0xb8;
	[tilespmem:$0x1E800] =	vst v63  }
0x23: {  	_ =	swait.ge [sflag:s20], $0x3E80  }
0x24: {  	[sflag:s20] =	ssyncset.done $0x0  }
0x25: {  	s25 =	simm.s32 $0x1400;
	[sflag:s20] =	ssyncadd.s32 $0xFFFFC180  }
0x26: {  	[spmem:s2] =	stream.indirect.scatter.add.f32 [tilespmem:s17], [sflag:$0x3], $0x80, s25, s16, $0xb8;
	[tilespmem:$0x1E800] =	vst v63  }
0x27: {  	_ =	swait.ge [sflag:s14], $0x3E80  }
0x28: {  	[sflag:s14] =	ssyncset.done $0x0  }
0x29: {  	s30 =	simm.s32 $0x100;
	[sflag:s14] =	ssyncadd.s32 $0xFFFFC180  }
0x2a: {  	[tilespmem:s17], [sflag:$0x1] =	stream.indirect.gather [hbm4b:s1+s16], $0x80, s30, s16, $0xb8;
	[tilespmem:$0x1E800] =	vst v63  }
0x2b: {  	_ =	swait.ge [sflag:s21], $0x3E80  }
0x2c: {  	[sflag:s21] =	ssyncset.done $0x0  }
0x2d: {  	s31 =	simm.s32 $0x1480;
	[sflag:s21] =	ssyncadd.s32 $0xFFFFC180  }
0x2e: {  	[spmem:s2] =	stream.indirect.scatter.add.f32 [tilespmem:s19], [sflag:$0x3], $0x80, s31, s16, $0xb8;
	[tilespmem:$0x1E800] =	vst v63  }
0x2f: {  	_ =	swait.ge [sflag:s14], $0x3E80  }
0x30: {  	[sflag:s14] =	ssyncset.done $0x0  }
0x31: {  	s26 =	simm.s32 $0x180;
	s25 =	simm.s32 $0x400;
	[sflag:s14] =	ssyncadd.s32 $0xFFFFC180  }
.LBB2_2:
0x32: {  	[tilespmem:s19], [sflag:$0x2] =	stream.indirect.gather [hbm4b:s1+s16], $0x80, s26, s16, $0xb8;
	[tilespmem:$0x1E800] =	vst v63  }
0x33: {  	s26 =	smov.u32 s25  }
0x34: {  	p0 =	sne.s32 s25, $0x4800;
	s25 =	sadd.s32 $0x400, s25;
	_ =	swait.ge [sflag:s20], $0x3E80  }
0x35: {  	s26 =	sshra.s32 s26, $0x2;
	[sflag:s20] =	ssyncset.done $0x0  }
0x36: {  	s28 =	sadd.s32 $0x1400, s26;
	[sflag:s20] =	ssyncadd.s32 $0xFFFFC180  }
0x37: {  	[spmem:s2] =	stream.indirect.scatter.add.f32 [tilespmem:s17], [sflag:$0x3], $0x80, s28, s16, $0xb8;
	[tilespmem:$0x1E800] =	vst v63  }
0x38: {  	_ =	swait.ge [sflag:s14], $0x3E80  }
0x39: {  	[sflag:s14] =	ssyncset.done $0x0  }
0x3a: {  	s28 =	sadd.s32 $0x100, s26;
	[sflag:s14] =	ssyncadd.s32 $0xFFFFC180  }
0x3b: {  	[tilespmem:s17], [sflag:$0x1] =	stream.indirect.gather [hbm4b:s1+s16], $0x80, s28, s16, $0xb8;
	[tilespmem:$0x1E800] =	vst v63  }
0x3c: {  	_ =	swait.ge [sflag:s21], $0x3E80  }
0x3d: {  	[sflag:s21] =	ssyncset.done $0x0  }
.Ltmp0:
0x3e: {  	s28 =	sadd.s32 $0x1480, s26;
	[sflag:s21] =	ssyncadd.s32 $0xFFFFC180;
	(pc) =	sbr.rel @p0 .LBB2_2-.Ltmp0, $4  }
0x3f: {  	[spmem:s2] =	stream.indirect.scatter.add.f32 [tilespmem:s19], [sflag:$0x3], $0x80, s28, s16, $0xb8;
	[tilespmem:$0x1E800] =	vst v63  }
0x40: {  	_ =	swait.ge [sflag:s14], $0x3E80  }
0x41: {  	[sflag:s14] =	ssyncset.done $0x0  }
0x42: {  	s26 =	sadd.s32 $0x180, s26;
	[sflag:s14] =	ssyncadd.s32 $0xFFFFC180  }
0x43: {  	[tilespmem:s19], [sflag:$0x2] =	stream.indirect.gather [hbm4b:s1+s16], $0x80, s26, s16, $0xb8;
	[tilespmem:$0x1E800] =	vst v63  }
0x44: {  	_ =	swait.ge [sflag:s20], $0x3E80  }
0x45: {  	[sflag:s20] =	ssyncset.done $0x0  }
0x46: {  	[sflag:s20] =	ssyncadd.s32 $0xFFFFC180  }
0x47: {  	[spmem:s2] =	stream.indirect.scatter.add.f32 [tilespmem:s17], [sflag:$0x3], $0x80, s22, s16, $0xb8;
	[tilespmem:$0x1E800] =	vst v63  }
0x48: {  	_ =	swait.ge [sflag:s14], $0x3E80  }
0x49: {  	[sflag:s14] =	ssyncset.done $0x0  }
0x4a: {  	[sflag:s14] =	ssyncadd.s32 $0xFFFFC180  }
0x4b: {  	_ =	swait.ge [sflag:s21], $0x3E80  }
0x4c: {  	[sflag:s21] =	ssyncset.done $0x0  }
0x4d: {  	[sflag:s21] =	ssyncadd.s32 $0xFFFFC180  }
0x4e: {  	[spmem:s2] =	stream.indirect.scatter.add.f32 [tilespmem:s19], [sflag:$0x3], $0x80, s23, s16, $0xb8;
	[tilespmem:$0x1E800] =	vst v63  }
0x4f: {  	_ =	swait.ge [sflag:s14], $0x3E80  }
0x50: {  	[sflag:s14] =	ssyncset.done $0x0  }
0x51: {  	s25 =	simm.s32 $0x0;
	[sflag:s14] =	ssyncadd.s32 $0xFFFFC180  }
0x52: {  	[tilespmem:s25], [sflag:$0x3] =	stream.linear.gather [hbm4b:s11+s25], $0x1400, $0x38;
	[tilespmem:$0x1E800] =	vst v63  }
0x53: {  	_ =	swait.ge [sflag:s14], $0x1400  }
0x54: {  	[sflag:s14] =	ssyncset.done $0x0  }
0x55: {  	[sflag:s14] =	ssyncadd.s32 $0xFFFFEC00  }
0x56: {  	[tilespmem:s15], [sflag:$0x3] =	stream.linear.gather [hbm4b:s12+s25], $0x1400, $0x38;
	[tilespmem:$0x1E800] =	vst v63  }
0x57: {  	_ =	swait.ge [sflag:s14], $0x1400  }
0x58: {  	[sflag:s14] =	ssyncset.done $0x0  }
0x59: {  	[sflag:s14] =	ssyncadd.s32 $0xFFFFEC00  }
0x5a: {  	[tilespmem:s17], [sflag:$0x1] =	stream.indirect.gather [hbm4b:s1+s16], $0x80, s25, s16, $0xb8;
	[tilespmem:$0x1E800] =	vst v63  }
0x5b: {  	_ = 	snop  }
0x5c: {  	[tilespmem:s19], [sflag:$0x2] =	stream.indirect.gather [hbm4b:s1+s16], $0x80, s18, s16, $0xb8;
	[tilespmem:$0x1E800] =	vst v63  }
0x5d: {  	_ =	swait.ge [sflag:s20], $0x3E80  }
0x5e: {  	[sflag:s20] =	ssyncset.done $0x0  }
0x5f: {  	s29 =	simm.s32 $0x1400;
	[sflag:s20] =	ssyncadd.s32 $0xFFFFC180  }
0x60: {  	[spmem:s2] =	stream.indirect.scatter.add.f32 [tilespmem:s17], [sflag:$0x3], $0x80, s29, s16, $0xb8;
	[tilespmem:$0x1E800] =	vst v63  }
0x61: {  	_ =	swait.ge [sflag:s14], $0x3E80  }
0x62: {  	[sflag:s14] =	ssyncset.done $0x0  }
0x63: {  	s30 =	simm.s32 $0x100;
	[sflag:s14] =	ssyncadd.s32 $0xFFFFC180  }
0x64: {  	[tilespmem:s17], [sflag:$0x1] =	stream.indirect.gather [hbm4b:s1+s16], $0x80, s30, s16, $0xb8;
	[tilespmem:$0x1E800] =	vst v63  }
0x65: {  	_ =	swait.ge [sflag:s21], $0x3E80  }
0x66: {  	[sflag:s21] =	ssyncset.done $0x0  }
0x67: {  	s31 =	simm.s32 $0x1480;
	[sflag:s21] =	ssyncadd.s32 $0xFFFFC180  }
0x68: {  	[spmem:s2] =	stream.indirect.scatter.add.f32 [tilespmem:s19], [sflag:$0x3], $0x80, s31, s16, $0xb8;
	[tilespmem:$0x1E800] =	vst v63  }
0x69: {  	_ =	swait.ge [sflag:s14], $0x3E80  }
0x6a: {  	[sflag:s14] =	ssyncset.done $0x0  }
0x6b: {  	s26 =	simm.s32 $0x180;
	s25 =	simm.s32 $0x400;
	[sflag:s14] =	ssyncadd.s32 $0xFFFFC180  }
.LBB2_4:
0x6c: {  	[tilespmem:s19], [sflag:$0x2] =	stream.indirect.gather [hbm4b:s1+s16], $0x80, s26, s16, $0xb8;
	[tilespmem:$0x1E800] =	vst v63  }
0x6d: {  	s26 =	smov.u32 s25  }
0x6e: {  	p0 =	sne.s32 s25, $0x4800;
	s25 =	sadd.s32 $0x400, s25;
	_ =	swait.ge [sflag:s20], $0x3E80  }
0x6f: {  	s26 =	sshra.s32 s26, $0x2;
	[sflag:s20] =	ssyncset.done $0x0  }
0x70: {  	s28 =	sadd.s32 $0x1400, s26;
	[sflag:s20] =	ssyncadd.s32 $0xFFFFC180  }
0x71: {  	[spmem:s2] =	stream.indirect.scatter.add.f32 [tilespmem:s17], [sflag:$0x3], $0x80, s28, s16, $0xb8;
	[tilespmem:$0x1E800] =	vst v63  }
0x72: {  	_ =	swait.ge [sflag:s14], $0x3E80  }
0x73: {  	[sflag:s14] =	ssyncset.done $0x0  }
0x74: {  	s28 =	sadd.s32 $0x100, s26;
	[sflag:s14] =	ssyncadd.s32 $0xFFFFC180  }
0x75: {  	[tilespmem:s17], [sflag:$0x1] =	stream.indirect.gather [hbm4b:s1+s16], $0x80, s28, s16, $0xb8;
	[tilespmem:$0x1E800] =	vst v63  }
0x76: {  	_ =	swait.ge [sflag:s21], $0x3E80  }
0x77: {  	[sflag:s21] =	ssyncset.done $0x0  }
.Ltmp1:
0x78: {  	s28 =	sadd.s32 $0x1480, s26;
	[sflag:s21] =	ssyncadd.s32 $0xFFFFC180;
	(pc) =	sbr.rel @p0 .LBB2_4-.Ltmp1, $4  }
0x79: {  	[spmem:s2] =	stream.indirect.scatter.add.f32 [tilespmem:s19], [sflag:$0x3], $0x80, s28, s16, $0xb8;
	[tilespmem:$0x1E800] =	vst v63  }
0x7a: {  	_ =	swait.ge [sflag:s14], $0x3E80  }
0x7b: {  	[sflag:s14] =	ssyncset.done $0x0  }
0x7c: {  	s26 =	sadd.s32 $0x180, s26;
	[sflag:s14] =	ssyncadd.s32 $0xFFFFC180  }
0x7d: {  	[tilespmem:s19], [sflag:$0x2] =	stream.indirect.gather [hbm4b:s1+s16], $0x80, s26, s16, $0xb8;
	[tilespmem:$0x1E800] =	vst v63  }
0x7e: {  	_ =	swait.ge [sflag:s20], $0x3E80  }
0x7f: {  	[sflag:s20] =	ssyncset.done $0x0  }
0x80: {  	[sflag:s20] =	ssyncadd.s32 $0xFFFFC180  }
0x81: {  	[spmem:s2] =	stream.indirect.scatter.add.f32 [tilespmem:s17], [sflag:$0x3], $0x80, s22, s16, $0xb8;
	[tilespmem:$0x1E800] =	vst v63  }
0x82: {  	_ =	swait.ge [sflag:s14], $0x3E80  }
0x83: {  	[sflag:s14] =	ssyncset.done $0x0  }
0x84: {  	[sflag:s14] =	ssyncadd.s32 $0xFFFFC180  }
0x85: {  	_ =	swait.ge [sflag:s21], $0x3E80  }
0x86: {  	[sflag:s21] =	ssyncset.done $0x0  }
0x87: {  	[sflag:s21] =	ssyncadd.s32 $0xFFFFC180  }
0x88: {  	[spmem:s2] =	stream.indirect.scatter.add.f32 [tilespmem:s19], [sflag:$0x3], $0x80, s23, s16, $0xb8;
	[tilespmem:$0x1E800] =	vst v63  }
0x89: {  	_ =	swait.ge [sflag:s14], $0x3E80  }
0x8a: {  	s24 =	sadd.s32 $0x1, s24;
	[sflag:s14] =	ssyncset.done $0x0  }
0x8b: {  	p0 =	sne.s32 s24, s8;
	[sflag:s14] =	ssyncadd.s32 $0xFFFFC180  }
.Ltmp2:
0x8c: {  	[bflag:$0x0] =	sbarrier.arrive $0xFFFF;
	(pc) =	sbr.rel @p0 .LBB2_1-.Ltmp2, $4  }
0x8d: {  	[hbm:s7], [sflag:s6] =	dma.local [spmem:s13], $0x2800  }
0x8e: {  	_ =	swait.ge [sflag:s14], $0x2800  }
0x8f: {  	[sflag:s14] =	ssyncset.done $0x0  }
0x90: {  	[sflag:s14] =	ssyncadd.s32 $0xFFFFD800  }
0x91: {  	_ =	sfence.sel $0x180000  }
0x92: {  	[bflag:$0x0] =	sbarrier.arrive $0xFFFF  }
0x93: {  	p0 =	sne.s32 s3, $0x0;
	_ =	strace $0x9000004A  }
0x94: {  	s0 =	sadd.s32 @!p0 $0x100000, s0;
	[bflag:$0x2] =	sbarrier.arrive $0xFFFF  }
0x95: {  	[sflag:s0] =	ssyncadd.tile.s32 @!p0 $0x1;
	_ =	shalt  }
.Lfunc_end2:
_tile_overlayer_lowered:
.L_overlay_start_2:
0x96: {  	(tag) =	ssettag $0x2  }
0x97: {  	s0 =	rddreg [dreg:$0x0];
	s2 =	stileid.u32  }
0x98: {  	s1 =	rddreg [dreg:$0x1];
	p0 =	sne.s32 s2, $0x0  }
0x99: {  	s3 =	rddreg [dreg:$0x2];
	[bflag:$0x3] =	sbarrier.arrive $0xFFFF;
	s2 =	simm.s32 @!p0 $0x1C03  }
0x9a: {  	[timem:s3], [sflag:s2] =	dma.local @!p0 [hbm:s0], s1  }
0x9b: {  	s0 =	simm.s32 @!p0 $0x3  }
0x9c: {  	_ =	swait.ge @!p0 [sflag:s0], s1  }
0x9d: {  	s1 =	ssub.s32 @!p0 $0x0, s1;
	[sflag:s0] =	ssyncset.done @!p0 $0x0  }
0x9e: {  	[sflag:s0] =	ssyncadd.s32 @!p0 s1  }
0x9f: {  	[bflag:$0x3] =	sbarrier.arrive $0xFFFF  }
0xa0: {  	_ =	shalt  }

// kernel: kernel.14.cloned.1.call-start
scs
__scs_entry_jumppad:
0x0: {  	(pc) =	sbr.rel $0x88, $3  }
0x1: {  	(tag) =	ssettag $0x0;
	lr =	simm.s32 $0x1  }
0x2: {  	[smem:$0x3F99] =	sst lr;
	_ =	strace $0xD0000000  }
0x3: {  	_ = 	snop  }
0x4: {  	_ = 	snop  }
0x5: {  	_ = 	snop  }
0x6: {  	_ = 	snop  }
0x7: {  	_ = 	snop  }
__scs_overlays_trampoline_lowered:
0x8: {  	[smem:$0x3FA8] =	sst s0  }
0x9: {  	[smem:$0x3FA9] =	sst s1  }
0xa: {  	[smem:$0x3FAA] =	sst s2  }
0xb: {  	[smem:$0x3FAB] =	sst s3  }
0xc: {  	[smem:$0x3FAC] =	sst s4  }
0xd: {  	[smem:$0x3FAD] =	sst s5  }
0xe: {  	[smem:$0x3FAE] =	sst s6  }
0xf: {  	[smem:$0x3FAF] =	sst s7  }
0x10: {  	[smem:$0x3FB0] =	sst s8  }
0x11: {  	[smem:$0x3FB1] =	sst s9;
	s0 =	simm.s32 @!p0 $0x0  }
0x12: {  	s1 =	sld [smem:$0x3F97];
	s0 =	simm.s32 @p0 $0x1  }
0x13: {  	[smem:$0x3FB2] =	sst s0;
	s0 =	simm.s32 @!p1 $0x0  }
0x14: {  	s2 =	sld [smem:$0x3F96];
	s0 =	simm.s32 @p1 $0x1  }
0x15: {  	[smem:$0x3FB3] =	sst s0;
	s0 =	simm.s32 @!p2 $0x0  }
0x16: {  	s3 =	sld [smem:$0x3FDB];
	s0 =	simm.s32 @p2 $0x1  }
0x17: {  	s4 =	simm.s32 $0x1BF5;
	[smem:$0x3FB5] =	sst s0  }
0x18: {  	s0 =	sld [smem:$0x3F98];
	_ =	swait.ge [sflag:s4], $0x0  }
0x19: {  	s7 =	sld [smem:$0x3F99]  }
0x1a: {  	s8 =	sadd.s32 $0xFFFFE003, lr  }
0x1b: {  	s9 =	sadd.s32 $0xFFFFFEF7, lr;
	s5 =	simm.s32 $0xFFFFFFFF;
	p2 =	slt.u32 s8, $0xFFFFF086  }
0x1c: {  	p1 =	slt.u32 s9, $0xF7A;
	s5 =	simm.s32 @!p2 $0x0  }
0x1d: {  	s5 =	simm.s32 @p1 $0x1;
	p0 =	seq.s32 s7, s2  }
0x1e: {  	s7 =	smul.u32 @!p0 $0xF7A, s2;
	p2 =	seq.s32 @!p0 s5, $0x0  }
0x1f: {  	s9 =	smul.u32 $0xF7A, s1;
	s8 =	simm.s32 @!p0 $0x1BF5;
	p2 =	por !p2, p0  }
0x20: {  	[sflag:s8] =	ssyncset.s32 @!p0 $0xFFFFF086;
	s6 =	sadd.s32 @!p0 s3, s7;
	s7 =	simm.s32 @!p0 $0x108  }
0x21: {  	s3 =	sadd.s32 s3, s9;
	s6 =	sadd.s32 @!p0 $0x88, s6;
	s7 =	simm.s32 @p2 $0x1082  }
0x22: {  	[simem:s7], [sflag:s8] =	dma.local @!p0 [hbm:s6], $0xF7A  }
0x23: {  	s9 =	sor.u32 $0xD0000000, s2;
	s6 =	simm.s32 $0x108;
	_ =	swait.ge @!p0 [sflag:s8], $0x0  }
0x24: {  	s3 =	sadd.s32 $0x88, s3;
	s6 =	simm.s32 @!p1 $0x1082;
	[sflag:s4] =	ssyncset.s32 $0xFFFFF086  }
0x25: {  	[simem:s6], [sflag:s4] =	dma.local [hbm:s3], $0xF7A  }
0x26: {  	[smem:$0x3F99] =	sst s1;
	(tag) =	ssettag s2;
	_ =	strace s9  }
0x27: {  	s1 =	sld [smem:$0x3FA9]  }
0x28: {  	s2 =	sld [smem:$0x3FAA]  }
0x29: {  	s4 =	sld [smem:$0x3FAC]  }
0x2a: {  	p0 =	seq.s32 s5, $0x0;
	s5 =	sld [smem:$0x3FAD]  }
0x2b: {  	s6 =	sld [smem:$0x3FAE]  }
0x2c: {  	s7 =	sld [smem:$0x3FAF]  }
0x2d: {  	s3 =	simm.s32 $0x108;
	s8 =	sld [smem:$0x3FB0]  }
0x2e: {  	s3 =	simm.s32 @!p0 $0x1082;
	s9 =	sld [smem:$0x3FB1]  }
0x2f: {  	lr =	sadd.s32 s0, s3;
	s0 =	sld [smem:$0x3FA8]  }
0x30: {  	s3 =	sld [smem:$0x3FAB]  }
0x31: {  	[smem:$0x3FB4] =	sst s10  }
0x32: {  	s10 =	sld [smem:$0x3FB2];
	_ =	sdelay $0x3  }
0x33: {  	p0 =	seq.s32 s10, $0x1;
	s10 =	sld [smem:$0x3FB4];
	_ =	sdelay $0x3  }
0x34: {  	[smem:$0x3FB4] =	sst s10  }
0x35: {  	s10 =	sld [smem:$0x3FB3];
	_ =	sdelay $0x3  }
0x36: {  	p1 =	seq.s32 s10, $0x1;
	s10 =	sld [smem:$0x3FB4];
	_ =	sdelay $0x3  }
0x37: {  	[smem:$0x3FB4] =	sst s10  }
0x38: {  	s10 =	sld [smem:$0x3FB5]  }
0x39: {  	_ = 	snop;
	(pc) =	sbr.ind lr, $3  }
0x3a: {  	_ = 	snop  }
0x3b: {  	_ = 	snop  }
0x3c: {  	p2 =	seq.s32 s10, $0x1;
	s10 =	sld [smem:$0x3FB4]  }
0x3d: {  	_ =	shalt  }
0x3e: {  	_ =	shalt  }
0x3f: {  	_ =	shalt  }
0x40: {  	_ =	shalt  }
0x41: {  	_ =	shalt  }
0x42: {  	_ =	shalt  }
0x43: {  	_ =	shalt  }
0x44: {  	_ =	shalt  }
0x45: {  	_ =	shalt  }
0x46: {  	_ =	shalt  }
0x47: {  	_ =	shalt  }
0x48: {  	_ =	shalt  }
0x49: {  	_ =	shalt  }
0x4a: {  	_ =	shalt  }
0x4b: {  	_ =	shalt  }
0x4c: {  	_ =	shalt  }
0x4d: {  	_ =	shalt  }
0x4e: {  	_ =	shalt  }
0x4f: {  	_ =	shalt  }
0x50: {  	_ =	shalt  }
0x51: {  	_ =	shalt  }
0x52: {  	_ =	shalt  }
0x53: {  	_ =	shalt  }
0x54: {  	_ =	shalt  }
0x55: {  	_ =	shalt  }
0x56: {  	_ =	shalt  }
0x57: {  	_ =	shalt  }
0x58: {  	_ =	shalt  }
0x59: {  	_ =	shalt  }
0x5a: {  	_ =	shalt  }
0x5b: {  	_ =	shalt  }
0x5c: {  	_ =	shalt  }
0x5d: {  	_ =	shalt  }
0x5e: {  	_ =	shalt  }
0x5f: {  	_ =	shalt  }
0x60: {  	_ =	shalt  }
0x61: {  	_ =	shalt  }
0x62: {  	_ =	shalt  }
0x63: {  	_ =	shalt  }
0x64: {  	_ =	shalt  }
0x65: {  	_ =	shalt  }
0x66: {  	_ =	shalt  }
0x67: {  	_ =	shalt  }
0x68: {  	_ =	shalt  }
0x69: {  	_ =	shalt  }
0x6a: {  	_ =	shalt  }
0x6b: {  	_ =	shalt  }
0x6c: {  	_ =	shalt  }
0x6d: {  	_ =	shalt  }
0x6e: {  	_ =	shalt  }
0x6f: {  	_ =	shalt  }
0x70: {  	_ =	shalt  }
0x71: {  	_ =	shalt  }
0x72: {  	_ =	shalt  }
0x73: {  	_ =	shalt  }
0x74: {  	_ =	shalt  }
0x75: {  	_ =	shalt  }
0x76: {  	_ =	shalt  }
0x77: {  	_ =	shalt  }
0x78: {  	_ =	shalt  }
0x79: {  	_ =	shalt  }
0x7a: {  	_ =	shalt  }
0x7b: {  	_ =	shalt  }
0x7c: {  	_ =	shalt  }
0x7d: {  	_ =	shalt  }
0x7e: {  	_ =	shalt  }
0x7f: {  	_ =	shalt  }
0x80: {  	_ =	shalt  }
0x81: {  	_ =	shalt  }
0x82: {  	_ =	shalt  }
0x83: {  	_ =	shalt  }
0x84: {  	_ =	shalt  }
0x85: {  	_ =	shalt  }
0x86: {  	_ =	shalt  }
0x87: {  	_ =	shalt  }
.Lfunc_end0:
.L_simem_size_0:
called_computation.2_lowered:
.L_overlay_start_0:
0x88: {  	s2 =	sld [smem:$0x3FD9]  }
0x89: {  	s3 =	sld [smem:$0x3FFE];
	_ =	sdelay $0x1  }
0x8a: {  	s1 =	srdreg.scid  }
0x8b: {  	s0 =	sand.u32 $0x1, s1  }
0x8c: {  	s17 =	sshll.u32 s0, $0xA;
	s2 =	sadd.s32 s3, s2  }
0x8d: {  	s2 =	sadd.s32 s2, s17  }
0x8e: {  	[smem:$0x3FC0] =	sst s2  }
0x8f: {  	_ = 	snop  }
0x90: {  	s2 =	sld [smem:$0x3FD0];
	(tm) =	ssettm $0x1  }
0x91: {  	s18 =	sld [smem:$0x3FFB];
	_ =	sdelay $0x3  }
0x92: {  	_ =	strace s18  }
0x93: {  	s3 =	sld [smem:$0x3FFC];
	_ =	sdelay $0x3  }
0x94: {  	_ =	strace s3  }
0x95: {  	s3 =	sld [smem:$0x3FFD];
	_ =	sdelay $0x3  }
0x96: {  	_ =	strace s3  }
0x97: {  	_ =	strace $0x8FFFFFFF  }
0x98: {  	s19 =	sld [smem:$0x3FDB];
	_ =	sdelay $0x1  }
0x99: {  	s4 =	simm.s32 $_scs_section_size  }
0x9a: {  	s5 =	simm.s32 $_size__tile_overlayer_lowered;
	s6 =	simm.s32 $_tile_overlayer_lowered  }
0x9b: {  	s22 =	simm.s32 $0x1BFF;
	s21 =	sshll.u32 s6, $0x1;
	s3 =	sadd.s32 s4, s19  }
0x9c: {  	s7 =	simm.s32 $0x0;
	s20 =	sshll.u32 s5, $0x1;
	s5 =	sadd.s32 s21, s3  }
0x9d: {  	[timem:s7], [sflag:s22] =	dma.local [hbm:s5], s20  }
0x9e: {  	_ =	swait.ge [sflag:s22], s20  }
0x9f: {  	s4 =	ssub.s32 $0x0, s20;
	[sflag:s22] =	ssyncset.done $0x0  }
0xa0: {  	[sflag:s22] =	ssyncadd.s32 s4;
	_ =	sdelay $0x1  }
0xa1: {  	s23 =	simm.s32 $0x1B8B  }
0xa2: {  	_ =	swait.ge [sflag:s23], $0x1  }
0xa3: {  	[sflag:s23] =	ssyncset.done $0x0  }
0xa4: {  	s25 =	simm.s32 $0x1B8E;
	s24 =	sld [smem:$0x3FFE];
	[sflag:s23] =	ssyncadd.s32 $0xFFFFFFFF  }
0xa5: {  	s26 =	simm.s32 $execute0_lowered;
	[smem:$0x3FD2] =	sst s25  }
0xa6: {  	s5 =	sshll.u32 s26, $0x1;
	_ =	strace $0x8000004C;
	[dreg:$0x1] =	wrdreg $0xFFFFFFFF  }
0xa7: {  	s28 =	simm.s32 $_size_execute0_lowered;
	s3 =	sadd.s32 s3, s5;
	[dreg:$0x0] =	wrdreg $0x0  }
0xa8: {  	s5 =	sshll.u32 s28, $0x1;
	[dreg:$0x2] =	wrdreg s3  }
0xa9: {  	[dreg:$0x3] =	wrdreg s5  }
0xaa: {  	[dreg:$0x4] =	wrdreg $0xC0  }
0xab: {  	_ =	task [dreg:s7], $0x5FFFF  }
0xac: {  	[dreg:$0x1] =	wrdreg $0xFFFFFFFF  }
0xad: {  	[dreg:$0x0] =	wrdreg $0x60  }
0xae: {  	[dreg:$0x2] =	wrdreg s24  }
0xaf: {  	[dreg:$0x3] =	wrdreg s2  }
0xb0: {  	[dreg:$0x4] =	wrdreg $0xA8000  }
0xb1: {  	[dreg:$0x5] =	wrdreg $0x9  }
0xb2: {  	_ =	task.clear_ibuf [dreg:s7], $0x6FFFF;
	_ =	strace $0x9000004C  }
0xb3: {  	s29 =	simm.s32 $0x9;
	_ =	strace $0x8000004E  }
0xb4: {  	_ =	swait.ge [sflag:s29], $0x1  }
0xb5: {  	[sflag:s29] =	ssyncadd.s32 $0xFFFFFFFF  }
0xb6: {  	_ =	strace $0x9000004E  }
0xb7: {  	_ =	sfence  }
0xb8: {  	s30 =	sld [smem:$0x0];
	_ =	sdelay $0x2  }
0xb9: {  	s31 =	sshll.u32 s1, $0xD;
	s1 =	sshrl.u32 s1, $0x2  }
0xba: {  	s3 =	sand.u32 $0x4000, s31;
	s1 =	sadd.s32 s1, s30  }
0xbb: {  	s0 =	sor.u32 s3, s0;
	s1 =	sshll.u32 s1, $0x11  }
0xbc: {  	s0 =	sor.u32 s1, s0  }
0xbd: {  	s0 =	sadd.s32 $0x8F2B, s0  }
0xbe: {  	[sflag:s0] =	ssyncadd.remote.s32 $0x1  }
0xbf: {  	_ =	sfence.sel $0xFFFF  }
0xc0: {  	[dreg:$0x0] =	wrdreg $0xFFFFFFFF;
	(pc) =	sbr.abs _section_cstart, $3  }
0xc1: {  	[dreg:$0x1] =	wrdreg $0xFFFFFFFF  }
0xc2: {  	_ =	task.clear_ibuf [dreg:s7], $0x2FFFF;
	_ =	strace $0x9FFFFFFF  }
0xc3: {  	(tm) =	ssettm $0x7FFFFFFF  }
tec
execute0_lowered:
.L_overlay_start_1:
0x0: {  	(tag) =	ssettag $0x1  }
0x1: {  	s6 =	rddreg [dreg:$0x0]  }
0x2: {  	s1 =	rddreg [dreg:$0x1]  }
0x3: {  	s2 =	rddreg [dreg:$0x2];
	s3 =	srdreg.scid  }
0x4: {  	s0 =	rddreg [dreg:$0x3];
	s4 =	simm.s32 $0x0;
	s15 =	simm.s32 $0x1400  }
0x5: {  	s16 =	simm.s32 $0x7D;
	s17 =	simm.s32 $0x2800;
	s18 =	simm.s32 $0x80  }
0x6: {  	s19 =	simm.s32 $0x6800;
	s20 =	simm.s32 $0x1;
	s21 =	simm.s32 $0x2  }
0x7: {  	s22 =	simm.s32 $0x2700;
	s23 =	simm.s32 $0x2780;
	s24 =	simm.s32 $0x0  }
0x8: {  	s7 =	sand.u32 $0x1, s3;
	s3 =	stileid.u32;
	[smem:$0x7FF] =	sst s4  }
0x9: {  	s11 =	sadd.s32 $0x5F200, s6;
	s12 =	sadd.s32 $0x2A00, s6;
	s8 =	smul.u32 $0x140000, s7  }
0xa: {  	s5 =	sadd.s32 $0xCA00, s6;
	s9 =	smul.u32 $0x14000, s3;
	_ =	strace $0x8000004D  }
0xb: {  	s26 =	sshll.u32 s3, $0x1;
	s10 =	smul.u32 $0x50000, s3;
	s28 =	ssub.s32 $0x2, s7  }
0xc: {  	s30 =	sshll.u32 s3, $0x6;
	s7 =	sor.u32 s7, s26;
	s29 =	sshrl.u32 s28, $0x1  }
0xd: {  	s8 =	sadd.s32 s9, s8;
	s10 =	sshrl.u32 s10, $0x2;
	s13 =	smul.u32 $0x2800, s7  }
0xe: {  	s9 =	ssub.s32 s28, s29;
	s8 =	sshrl.u32 s8, $0x3;
	s14 =	sadd.s32 s10, s2  }
0xf: {  	s8 =	sadd.s32 s8, s6;
	s6 =	sor.u32 $0x1C03, s30;
	s31 =	sshrl.u32 s13, $0x3  }
0x10: {  	s7 =	sadd.s32 $0x69200, s8;
	s8 =	smax.u32 s9, $0x1;
	s13 =	sadd.s32 $0x280, s31  }
0x11: {  	s9 =	sadd.s32 s11, s31;
	s10 =	sadd.s32 s12, s31;
	s11 =	sadd.s32 s11, s13  }
0x12: {  	s12 =	sadd.s32 s12, s13;
	s13 =	sshrl.u32 s14, $0x3;
	s14 =	simm.s32 $0x3  }
.LBB2_1:
0x13: {  	[spmem:s13], [sflag:s6] =	dma.local [hbm:s5], $0x2800  }
0x14: {  	_ =	swait.ge [sflag:s14], $0x2800  }
0x15: {  	[sflag:s14] =	ssyncset.done $0x0  }
0x16: {  	[sflag:s14] =	ssyncadd.s32 $0xFFFFD800  }
0x17: {  	[bflag:$0x0] =	sbarrier.arrive $0xFFFF  }
0x18: {  	[tilespmem:s4], [sflag:$0x3] =	stream.linear.gather [hbm4b:s9+s4], $0x1400, $0x38;
	[tilespmem:$0x1E800] =	vst v63  }
0x19: {  	_ =	swait.ge [sflag:s14], $0x1400  }
0x1a: {  	[sflag:s14] =	ssyncset.done $0x0  }
0x1b: {  	[sflag:s14] =	ssyncadd.s32 $0xFFFFEC00  }
0x1c: {  	[tilespmem:s15], [sflag:$0x3] =	stream.linear.gather [hbm4b:s10+s4], $0x1400, $0x38;
	[tilespmem:$0x1E800] =	vst v63  }
0x1d: {  	_ =	swait.ge [sflag:s14], $0x1400  }
0x1e: {  	[sflag:s14] =	ssyncset.done $0x0  }
0x1f: {  	[sflag:s14] =	ssyncadd.s32 $0xFFFFEC00  }
0x20: {  	[tilespmem:s17], [sflag:$0x1] =	stream.indirect.gather [hbm4b:s1+s16], $0x80, s4, s16, $0xb8;
	[tilespmem:$0x1E800] =	vst v63  }
0x21: {  	_ = 	snop  }
0x22: {  	[tilespmem:s19], [sflag:$0x2] =	stream.indirect.gather [hbm4b:s1+s16], $0x80, s18, s16, $0xb8;
	[tilespmem:$0x1E800] =	vst v63  }
0x23: {  	_ =	swait.ge [sflag:s20], $0x3E80  }
0x24: {  	[sflag:s20] =	ssyncset.done $0x0  }
0x25: {  	s25 =	simm.s32 $0x1400;
	[sflag:s20] =	ssyncadd.s32 $0xFFFFC180  }
0x26: {  	[spmem:s2] =	stream.indirect.scatter.add.f32 [tilespmem:s17], [sflag:$0x3], $0x80, s25, s16, $0xb8;
	[tilespmem:$0x1E800] =	vst v63  }
0x27: {  	_ =	swait.ge [sflag:s14], $0x3E80  }
0x28: {  	[sflag:s14] =	ssyncset.done $0x0  }
0x29: {  	s30 =	simm.s32 $0x100;
	[sflag:s14] =	ssyncadd.s32 $0xFFFFC180  }
0x2a: {  	[tilespmem:s17], [sflag:$0x1] =	stream.indirect.gather [hbm4b:s1+s16], $0x80, s30, s16, $0xb8;
	[tilespmem:$0x1E800] =	vst v63  }
0x2b: {  	_ =	swait.ge [sflag:s21], $0x3E80  }
0x2c: {  	[sflag:s21] =	ssyncset.done $0x0  }
0x2d: {  	s31 =	simm.s32 $0x1480;
	[sflag:s21] =	ssyncadd.s32 $0xFFFFC180  }
0x2e: {  	[spmem:s2] =	stream.indirect.scatter.add.f32 [tilespmem:s19], [sflag:$0x3], $0x80, s31, s16, $0xb8;
	[tilespmem:$0x1E800] =	vst v63  }
0x2f: {  	_ =	swait.ge [sflag:s14], $0x3E80  }
0x30: {  	[sflag:s14] =	ssyncset.done $0x0  }
0x31: {  	s26 =	simm.s32 $0x180;
	s25 =	simm.s32 $0x400;
	[sflag:s14] =	ssyncadd.s32 $0xFFFFC180  }
.LBB2_2:
0x32: {  	[tilespmem:s19], [sflag:$0x2] =	stream.indirect.gather [hbm4b:s1+s16], $0x80, s26, s16, $0xb8;
	[tilespmem:$0x1E800] =	vst v63  }
0x33: {  	s26 =	smov.u32 s25  }
0x34: {  	p0 =	sne.s32 s25, $0x4800;
	s25 =	sadd.s32 $0x400, s25;
	_ =	swait.ge [sflag:s20], $0x3E80  }
0x35: {  	s26 =	sshra.s32 s26, $0x2;
	[sflag:s20] =	ssyncset.done $0x0  }
0x36: {  	s28 =	sadd.s32 $0x1400, s26;
	[sflag:s20] =	ssyncadd.s32 $0xFFFFC180  }
0x37: {  	[spmem:s2] =	stream.indirect.scatter.add.f32 [tilespmem:s17], [sflag:$0x3], $0x80, s28, s16, $0xb8;
	[tilespmem:$0x1E800] =	vst v63  }
0x38: {  	_ =	swait.ge [sflag:s14], $0x3E80  }
0x39: {  	[sflag:s14] =	ssyncset.done $0x0  }
0x3a: {  	s28 =	sadd.s32 $0x100, s26;
	[sflag:s14] =	ssyncadd.s32 $0xFFFFC180  }
0x3b: {  	[tilespmem:s17], [sflag:$0x1] =	stream.indirect.gather [hbm4b:s1+s16], $0x80, s28, s16, $0xb8;
	[tilespmem:$0x1E800] =	vst v63  }
0x3c: {  	_ =	swait.ge [sflag:s21], $0x3E80  }
0x3d: {  	[sflag:s21] =	ssyncset.done $0x0  }
.Ltmp0:
0x3e: {  	s28 =	sadd.s32 $0x1480, s26;
	[sflag:s21] =	ssyncadd.s32 $0xFFFFC180;
	(pc) =	sbr.rel @p0 .LBB2_2-.Ltmp0, $4  }
0x3f: {  	[spmem:s2] =	stream.indirect.scatter.add.f32 [tilespmem:s19], [sflag:$0x3], $0x80, s28, s16, $0xb8;
	[tilespmem:$0x1E800] =	vst v63  }
0x40: {  	_ =	swait.ge [sflag:s14], $0x3E80  }
0x41: {  	[sflag:s14] =	ssyncset.done $0x0  }
0x42: {  	s26 =	sadd.s32 $0x180, s26;
	[sflag:s14] =	ssyncadd.s32 $0xFFFFC180  }
0x43: {  	[tilespmem:s19], [sflag:$0x2] =	stream.indirect.gather [hbm4b:s1+s16], $0x80, s26, s16, $0xb8;
	[tilespmem:$0x1E800] =	vst v63  }
0x44: {  	_ =	swait.ge [sflag:s20], $0x3E80  }
0x45: {  	[sflag:s20] =	ssyncset.done $0x0  }
0x46: {  	[sflag:s20] =	ssyncadd.s32 $0xFFFFC180  }
0x47: {  	[spmem:s2] =	stream.indirect.scatter.add.f32 [tilespmem:s17], [sflag:$0x3], $0x80, s22, s16, $0xb8;
	[tilespmem:$0x1E800] =	vst v63  }
0x48: {  	_ =	swait.ge [sflag:s14], $0x3E80  }
0x49: {  	[sflag:s14] =	ssyncset.done $0x0  }
0x4a: {  	[sflag:s14] =	ssyncadd.s32 $0xFFFFC180  }
0x4b: {  	_ =	swait.ge [sflag:s21], $0x3E80  }
0x4c: {  	[sflag:s21] =	ssyncset.done $0x0  }
0x4d: {  	[sflag:s21] =	ssyncadd.s32 $0xFFFFC180  }
0x4e: {  	[spmem:s2] =	stream.indirect.scatter.add.f32 [tilespmem:s19], [sflag:$0x3], $0x80, s23, s16, $0xb8;
	[tilespmem:$0x1E800] =	vst v63  }
0x4f: {  	_ =	swait.ge [sflag:s14], $0x3E80  }
0x50: {  	[sflag:s14] =	ssyncset.done $0x0  }
0x51: {  	s25 =	simm.s32 $0x0;
	[sflag:s14] =	ssyncadd.s32 $0xFFFFC180  }
0x52: {  	[tilespmem:s25], [sflag:$0x3] =	stream.linear.gather [hbm4b:s11+s25], $0x1400, $0x38;
	[tilespmem:$0x1E800] =	vst v63  }
0x53: {  	_ =	swait.ge [sflag:s14], $0x1400  }
0x54: {  	[sflag:s14] =	ssyncset.done $0x0  }
0x55: {  	[sflag:s14] =	ssyncadd.s32 $0xFFFFEC00  }
0x56: {  	[tilespmem:s15], [sflag:$0x3] =	stream.linear.gather [hbm4b:s12+s25], $0x1400, $0x38;
	[tilespmem:$0x1E800] =	vst v63  }
0x57: {  	_ =	swait.ge [sflag:s14], $0x1400  }
0x58: {  	[sflag:s14] =	ssyncset.done $0x0  }
0x59: {  	[sflag:s14] =	ssyncadd.s32 $0xFFFFEC00  }
0x5a: {  	[tilespmem:s17], [sflag:$0x1] =	stream.indirect.gather [hbm4b:s1+s16], $0x80, s25, s16, $0xb8;
	[tilespmem:$0x1E800] =	vst v63  }
0x5b: {  	_ = 	snop  }
0x5c: {  	[tilespmem:s19], [sflag:$0x2] =	stream.indirect.gather [hbm4b:s1+s16], $0x80, s18, s16, $0xb8;
	[tilespmem:$0x1E800] =	vst v63  }
0x5d: {  	_ =	swait.ge [sflag:s20], $0x3E80  }
0x5e: {  	[sflag:s20] =	ssyncset.done $0x0  }
0x5f: {  	s29 =	simm.s32 $0x1400;
	[sflag:s20] =	ssyncadd.s32 $0xFFFFC180  }
0x60: {  	[spmem:s2] =	stream.indirect.scatter.add.f32 [tilespmem:s17], [sflag:$0x3], $0x80, s29, s16, $0xb8;
	[tilespmem:$0x1E800] =	vst v63  }
0x61: {  	_ =	swait.ge [sflag:s14], $0x3E80  }
0x62: {  	[sflag:s14] =	ssyncset.done $0x0  }
0x63: {  	s30 =	simm.s32 $0x100;
	[sflag:s14] =	ssyncadd.s32 $0xFFFFC180  }
0x64: {  	[tilespmem:s17], [sflag:$0x1] =	stream.indirect.gather [hbm4b:s1+s16], $0x80, s30, s16, $0xb8;
	[tilespmem:$0x1E800] =	vst v63  }
0x65: {  	_ =	swait.ge [sflag:s21], $0x3E80  }
0x66: {  	[sflag:s21] =	ssyncset.done $0x0  }
0x67: {  	s31 =	simm.s32 $0x1480;
	[sflag:s21] =	ssyncadd.s32 $0xFFFFC180  }
0x68: {  	[spmem:s2] =	stream.indirect.scatter.add.f32 [tilespmem:s19], [sflag:$0x3], $0x80, s31, s16, $0xb8;
	[tilespmem:$0x1E800] =	vst v63  }
0x69: {  	_ =	swait.ge [sflag:s14], $0x3E80  }
0x6a: {  	[sflag:s14] =	ssyncset.done $0x0  }
0x6b: {  	s26 =	simm.s32 $0x180;
	s25 =	simm.s32 $0x400;
	[sflag:s14] =	ssyncadd.s32 $0xFFFFC180  }
.LBB2_4:
0x6c: {  	[tilespmem:s19], [sflag:$0x2] =	stream.indirect.gather [hbm4b:s1+s16], $0x80, s26, s16, $0xb8;
	[tilespmem:$0x1E800] =	vst v63  }
0x6d: {  	s26 =	smov.u32 s25  }
0x6e: {  	p0 =	sne.s32 s25, $0x4800;
	s25 =	sadd.s32 $0x400, s25;
	_ =	swait.ge [sflag:s20], $0x3E80  }
0x6f: {  	s26 =	sshra.s32 s26, $0x2;
	[sflag:s20] =	ssyncset.done $0x0  }
0x70: {  	s28 =	sadd.s32 $0x1400, s26;
	[sflag:s20] =	ssyncadd.s32 $0xFFFFC180  }
0x71: {  	[spmem:s2] =	stream.indirect.scatter.add.f32 [tilespmem:s17], [sflag:$0x3], $0x80, s28, s16, $0xb8;
	[tilespmem:$0x1E800] =	vst v63  }
0x72: {  	_ =	swait.ge [sflag:s14], $0x3E80  }
0x73: {  	[sflag:s14] =	ssyncset.done $0x0  }
0x74: {  	s28 =	sadd.s32 $0x100, s26;
	[sflag:s14] =	ssyncadd.s32 $0xFFFFC180  }
0x75: {  	[tilespmem:s17], [sflag:$0x1] =	stream.indirect.gather [hbm4b:s1+s16], $0x80, s28, s16, $0xb8;
	[tilespmem:$0x1E800] =	vst v63  }
0x76: {  	_ =	swait.ge [sflag:s21], $0x3E80  }
0x77: {  	[sflag:s21] =	ssyncset.done $0x0  }
.Ltmp1:
0x78: {  	s28 =	sadd.s32 $0x1480, s26;
	[sflag:s21] =	ssyncadd.s32 $0xFFFFC180;
	(pc) =	sbr.rel @p0 .LBB2_4-.Ltmp1, $4  }
0x79: {  	[spmem:s2] =	stream.indirect.scatter.add.f32 [tilespmem:s19], [sflag:$0x3], $0x80, s28, s16, $0xb8;
	[tilespmem:$0x1E800] =	vst v63  }
0x7a: {  	_ =	swait.ge [sflag:s14], $0x3E80  }
0x7b: {  	[sflag:s14] =	ssyncset.done $0x0  }
0x7c: {  	s26 =	sadd.s32 $0x180, s26;
	[sflag:s14] =	ssyncadd.s32 $0xFFFFC180  }
0x7d: {  	[tilespmem:s19], [sflag:$0x2] =	stream.indirect.gather [hbm4b:s1+s16], $0x80, s26, s16, $0xb8;
	[tilespmem:$0x1E800] =	vst v63  }
0x7e: {  	_ =	swait.ge [sflag:s20], $0x3E80  }
0x7f: {  	[sflag:s20] =	ssyncset.done $0x0  }
0x80: {  	[sflag:s20] =	ssyncadd.s32 $0xFFFFC180  }
0x81: {  	[spmem:s2] =	stream.indirect.scatter.add.f32 [tilespmem:s17], [sflag:$0x3], $0x80, s22, s16, $0xb8;
	[tilespmem:$0x1E800] =	vst v63  }
0x82: {  	_ =	swait.ge [sflag:s14], $0x3E80  }
0x83: {  	[sflag:s14] =	ssyncset.done $0x0  }
0x84: {  	[sflag:s14] =	ssyncadd.s32 $0xFFFFC180  }
0x85: {  	_ =	swait.ge [sflag:s21], $0x3E80  }
0x86: {  	[sflag:s21] =	ssyncset.done $0x0  }
0x87: {  	[sflag:s21] =	ssyncadd.s32 $0xFFFFC180  }
0x88: {  	[spmem:s2] =	stream.indirect.scatter.add.f32 [tilespmem:s19], [sflag:$0x3], $0x80, s23, s16, $0xb8;
	[tilespmem:$0x1E800] =	vst v63  }
0x89: {  	_ =	swait.ge [sflag:s14], $0x3E80  }
0x8a: {  	s24 =	sadd.s32 $0x1, s24;
	[sflag:s14] =	ssyncset.done $0x0  }
0x8b: {  	p0 =	sne.s32 s24, s8;
	[sflag:s14] =	ssyncadd.s32 $0xFFFFC180  }
.Ltmp2:
0x8c: {  	[bflag:$0x0] =	sbarrier.arrive $0xFFFF;
	(pc) =	sbr.rel @p0 .LBB2_1-.Ltmp2, $4  }
0x8d: {  	[hbm:s7], [sflag:s6] =	dma.local [spmem:s13], $0x2800  }
0x8e: {  	_ =	swait.ge [sflag:s14], $0x2800  }
0x8f: {  	[sflag:s14] =	ssyncset.done $0x0  }
0x90: {  	[sflag:s14] =	ssyncadd.s32 $0xFFFFD800  }
0x91: {  	_ =	sfence.sel $0x180000  }
0x92: {  	[bflag:$0x0] =	sbarrier.arrive $0xFFFF  }
0x93: {  	p0 =	sne.s32 s3, $0x0;
	_ =	strace $0x9000004D  }
0x94: {  	s0 =	sadd.s32 @!p0 $0x100000, s0;
	[bflag:$0x2] =	sbarrier.arrive $0xFFFF  }
0x95: {  	[sflag:s0] =	ssyncadd.tile.s32 @!p0 $0x1;
	_ =	shalt  }
.Lfunc_end2:
_tile_overlayer_lowered:
.L_overlay_start_2:
0x96: {  	(tag) =	ssettag $0x2  }
0x97: {  	s0 =	rddreg [dreg:$0x0];
	s2 =	stileid.u32  }
0x98: {  	s1 =	rddreg [dreg:$0x1];
	p0 =	sne.s32 s2, $0x0  }
0x99: {  	s3 =	rddreg [dreg:$0x2];
	[bflag:$0x3] =	sbarrier.arrive $0xFFFF;
	s2 =	simm.s32 @!p0 $0x1C03  }
0x9a: {  	[timem:s3], [sflag:s2] =	dma.local @!p0 [hbm:s0], s1  }
0x9b: {  	s0 =	simm.s32 @!p0 $0x3  }
0x9c: {  	_ =	swait.ge @!p0 [sflag:s0], s1  }
0x9d: {  	s1 =	ssub.s32 @!p0 $0x0, s1;
	[sflag:s0] =	ssyncset.done @!p0 $0x0  }
0x9e: {  	[sflag:s0] =	ssyncadd.s32 @!p0 s1  }
0x9f: {  	[bflag:$0x3] =	sbarrier.arrive $0xFFFF  }
0xa0: {  	_ =	shalt  }

// kernel: kernel.8.cloned.1.call-start
scs
__scs_entry_jumppad:
0x0: {  	(pc) =	sbr.rel $0x88, $3  }
0x1: {  	(tag) =	ssettag $0x0;
	lr =	simm.s32 $0x1  }
0x2: {  	[smem:$0x3F99] =	sst lr;
	_ =	strace $0xD0000000  }
0x3: {  	_ = 	snop  }
0x4: {  	_ = 	snop  }
0x5: {  	_ = 	snop  }
0x6: {  	_ = 	snop  }
0x7: {  	_ = 	snop  }
__scs_overlays_trampoline_lowered:
0x8: {  	[smem:$0x3FA8] =	sst s0  }
0x9: {  	[smem:$0x3FA9] =	sst s1  }
0xa: {  	[smem:$0x3FAA] =	sst s2  }
0xb: {  	[smem:$0x3FAB] =	sst s3  }
0xc: {  	[smem:$0x3FAC] =	sst s4  }
0xd: {  	[smem:$0x3FAD] =	sst s5  }
0xe: {  	[smem:$0x3FAE] =	sst s6  }
0xf: {  	[smem:$0x3FAF] =	sst s7  }
0x10: {  	[smem:$0x3FB0] =	sst s8  }
0x11: {  	[smem:$0x3FB1] =	sst s9;
	s0 =	simm.s32 @!p0 $0x0  }
0x12: {  	s1 =	sld [smem:$0x3F97];
	s0 =	simm.s32 @p0 $0x1  }
0x13: {  	[smem:$0x3FB2] =	sst s0;
	s0 =	simm.s32 @!p1 $0x0  }
0x14: {  	s2 =	sld [smem:$0x3F96];
	s0 =	simm.s32 @p1 $0x1  }
0x15: {  	[smem:$0x3FB3] =	sst s0;
	s0 =	simm.s32 @!p2 $0x0  }
0x16: {  	s3 =	sld [smem:$0x3FDB];
	s0 =	simm.s32 @p2 $0x1  }
0x17: {  	s4 =	simm.s32 $0x1BF5;
	[smem:$0x3FB5] =	sst s0  }
0x18: {  	s0 =	sld [smem:$0x3F98];
	_ =	swait.ge [sflag:s4], $0x0  }
0x19: {  	s7 =	sld [smem:$0x3F99]  }
0x1a: {  	s8 =	sadd.s32 $0xFFFFE003, lr  }
0x1b: {  	s9 =	sadd.s32 $0xFFFFFEF7, lr;
	s5 =	simm.s32 $0xFFFFFFFF;
	p2 =	slt.u32 s8, $0xFFFFF086  }
0x1c: {  	p1 =	slt.u32 s9, $0xF7A;
	s5 =	simm.s32 @!p2 $0x0  }
0x1d: {  	s5 =	simm.s32 @p1 $0x1;
	p0 =	seq.s32 s7, s2  }
0x1e: {  	s7 =	smul.u32 @!p0 $0xF7A, s2;
	p2 =	seq.s32 @!p0 s5, $0x0  }
0x1f: {  	s9 =	smul.u32 $0xF7A, s1;
	s8 =	simm.s32 @!p0 $0x1BF5;
	p2 =	por !p2, p0  }
0x20: {  	[sflag:s8] =	ssyncset.s32 @!p0 $0xFFFFF086;
	s6 =	sadd.s32 @!p0 s3, s7;
	s7 =	simm.s32 @!p0 $0x108  }
0x21: {  	s3 =	sadd.s32 s3, s9;
	s6 =	sadd.s32 @!p0 $0x88, s6;
	s7 =	simm.s32 @p2 $0x1082  }
0x22: {  	[simem:s7], [sflag:s8] =	dma.local @!p0 [hbm:s6], $0xF7A  }
0x23: {  	s9 =	sor.u32 $0xD0000000, s2;
	s6 =	simm.s32 $0x108;
	_ =	swait.ge @!p0 [sflag:s8], $0x0  }
0x24: {  	s3 =	sadd.s32 $0x88, s3;
	s6 =	simm.s32 @!p1 $0x1082;
	[sflag:s4] =	ssyncset.s32 $0xFFFFF086  }
0x25: {  	[simem:s6], [sflag:s4] =	dma.local [hbm:s3], $0xF7A  }
0x26: {  	[smem:$0x3F99] =	sst s1;
	(tag) =	ssettag s2;
	_ =	strace s9  }
0x27: {  	s1 =	sld [smem:$0x3FA9]  }
0x28: {  	s2 =	sld [smem:$0x3FAA]  }
0x29: {  	s4 =	sld [smem:$0x3FAC]  }
0x2a: {  	p0 =	seq.s32 s5, $0x0;
	s5 =	sld [smem:$0x3FAD]  }
0x2b: {  	s6 =	sld [smem:$0x3FAE]  }
0x2c: {  	s7 =	sld [smem:$0x3FAF]  }
0x2d: {  	s3 =	simm.s32 $0x108;
	s8 =	sld [smem:$0x3FB0]  }
0x2e: {  	s3 =	simm.s32 @!p0 $0x1082;
	s9 =	sld [smem:$0x3FB1]  }
0x2f: {  	lr =	sadd.s32 s0, s3;
	s0 =	sld [smem:$0x3FA8]  }
0x30: {  	s3 =	sld [smem:$0x3FAB]  }
0x31: {  	[smem:$0x3FB4] =	sst s10  }
0x32: {  	s10 =	sld [smem:$0x3FB2];
	_ =	sdelay $0x3  }
0x33: {  	p0 =	seq.s32 s10, $0x1;
	s10 =	sld [smem:$0x3FB4];
	_ =	sdelay $0x3  }
0x34: {  	[smem:$0x3FB4] =	sst s10  }
0x35: {  	s10 =	sld [smem:$0x3FB3];
	_ =	sdelay $0x3  }
0x36: {  	p1 =	seq.s32 s10, $0x1;
	s10 =	sld [smem:$0x3FB4];
	_ =	sdelay $0x3  }
0x37: {  	[smem:$0x3FB4] =	sst s10  }
0x38: {  	s10 =	sld [smem:$0x3FB5]  }
0x39: {  	_ = 	snop;
	(pc) =	sbr.ind lr, $3  }
0x3a: {  	_ = 	snop  }
0x3b: {  	_ = 	snop  }
0x3c: {  	p2 =	seq.s32 s10, $0x1;
	s10 =	sld [smem:$0x3FB4]  }
0x3d: {  	_ =	shalt  }
0x3e: {  	_ =	shalt  }
0x3f: {  	_ =	shalt  }
0x40: {  	_ =	shalt  }
0x41: {  	_ =	shalt  }
0x42: {  	_ =	shalt  }
0x43: {  	_ =	shalt  }
0x44: {  	_ =	shalt  }
0x45: {  	_ =	shalt  }
0x46: {  	_ =	shalt  }
0x47: {  	_ =	shalt  }
0x48: {  	_ =	shalt  }
0x49: {  	_ =	shalt  }
0x4a: {  	_ =	shalt  }
0x4b: {  	_ =	shalt  }
0x4c: {  	_ =	shalt  }
0x4d: {  	_ =	shalt  }
0x4e: {  	_ =	shalt  }
0x4f: {  	_ =	shalt  }
0x50: {  	_ =	shalt  }
0x51: {  	_ =	shalt  }
0x52: {  	_ =	shalt  }
0x53: {  	_ =	shalt  }
0x54: {  	_ =	shalt  }
0x55: {  	_ =	shalt  }
0x56: {  	_ =	shalt  }
0x57: {  	_ =	shalt  }
0x58: {  	_ =	shalt  }
0x59: {  	_ =	shalt  }
0x5a: {  	_ =	shalt  }
0x5b: {  	_ =	shalt  }
0x5c: {  	_ =	shalt  }
0x5d: {  	_ =	shalt  }
0x5e: {  	_ =	shalt  }
0x5f: {  	_ =	shalt  }
0x60: {  	_ =	shalt  }
0x61: {  	_ =	shalt  }
0x62: {  	_ =	shalt  }
0x63: {  	_ =	shalt  }
0x64: {  	_ =	shalt  }
0x65: {  	_ =	shalt  }
0x66: {  	_ =	shalt  }
0x67: {  	_ =	shalt  }
0x68: {  	_ =	shalt  }
0x69: {  	_ =	shalt  }
0x6a: {  	_ =	shalt  }
0x6b: {  	_ =	shalt  }
0x6c: {  	_ =	shalt  }
0x6d: {  	_ =	shalt  }
0x6e: {  	_ =	shalt  }
0x6f: {  	_ =	shalt  }
0x70: {  	_ =	shalt  }
0x71: {  	_ =	shalt  }
0x72: {  	_ =	shalt  }
0x73: {  	_ =	shalt  }
0x74: {  	_ =	shalt  }
0x75: {  	_ =	shalt  }
0x76: {  	_ =	shalt  }
0x77: {  	_ =	shalt  }
0x78: {  	_ =	shalt  }
0x79: {  	_ =	shalt  }
0x7a: {  	_ =	shalt  }
0x7b: {  	_ =	shalt  }
0x7c: {  	_ =	shalt  }
0x7d: {  	_ =	shalt  }
0x7e: {  	_ =	shalt  }
0x7f: {  	_ =	shalt  }
0x80: {  	_ =	shalt  }
0x81: {  	_ =	shalt  }
0x82: {  	_ =	shalt  }
0x83: {  	_ =	shalt  }
0x84: {  	_ =	shalt  }
0x85: {  	_ =	shalt  }
0x86: {  	_ =	shalt  }
0x87: {  	_ =	shalt  }
.Lfunc_end0:
.L_simem_size_0:
called_computation_lowered:
.L_overlay_start_0:
0x88: {  	s2 =	sld [smem:$0x3FD9]  }
0x89: {  	s3 =	sld [smem:$0x3FFE];
	_ =	sdelay $0x1  }
0x8a: {  	s1 =	srdreg.scid  }
0x8b: {  	s0 =	sand.u32 $0x1, s1  }
0x8c: {  	s17 =	sshll.u32 s0, $0xA;
	s2 =	sadd.s32 s3, s2  }
0x8d: {  	s2 =	sadd.s32 s2, s17  }
0x8e: {  	[smem:$0x3FC0] =	sst s2  }
0x8f: {  	_ = 	snop  }
0x90: {  	s2 =	sld [smem:$0x3FD0];
	(tm) =	ssettm $0x1  }
0x91: {  	s18 =	sld [smem:$0x3FFB];
	_ =	sdelay $0x3  }
0x92: {  	_ =	strace s18  }
0x93: {  	s3 =	sld [smem:$0x3FFC];
	_ =	sdelay $0x3  }
0x94: {  	_ =	strace s3  }
0x95: {  	s3 =	sld [smem:$0x3FFD];
	_ =	sdelay $0x3  }
0x96: {  	_ =	strace s3  }
0x97: {  	_ =	strace $0x8FFFFFFF  }
0x98: {  	s19 =	sld [smem:$0x3FDB];
	_ =	sdelay $0x1  }
0x99: {  	s4 =	simm.s32 $_scs_section_size  }
0x9a: {  	s5 =	simm.s32 $_size__tile_overlayer_lowered;
	s6 =	simm.s32 $_tile_overlayer_lowered  }
0x9b: {  	s22 =	simm.s32 $0x1BFF;
	s21 =	sshll.u32 s6, $0x1;
	s3 =	sadd.s32 s4, s19  }
0x9c: {  	s7 =	simm.s32 $0x0;
	s20 =	sshll.u32 s5, $0x1;
	s5 =	sadd.s32 s21, s3  }
0x9d: {  	[timem:s7], [sflag:s22] =	dma.local [hbm:s5], s20  }
0x9e: {  	_ =	swait.ge [sflag:s22], s20  }
0x9f: {  	s4 =	ssub.s32 $0x0, s20;
	[sflag:s22] =	ssyncset.done $0x0  }
0xa0: {  	[sflag:s22] =	ssyncadd.s32 s4;
	_ =	sdelay $0x1  }
0xa1: {  	s23 =	simm.s32 $0x1B8B  }
0xa2: {  	_ =	swait.ge [sflag:s23], $0x1  }
0xa3: {  	[sflag:s23] =	ssyncset.done $0x0  }
0xa4: {  	s25 =	simm.s32 $0x1B8E;
	s24 =	sld [smem:$0x3FFE];
	[sflag:s23] =	ssyncadd.s32 $0xFFFFFFFF  }
0xa5: {  	s26 =	simm.s32 $execute0_lowered;
	[smem:$0x3FD2] =	sst s25  }
0xa6: {  	s5 =	sshll.u32 s26, $0x1;
	_ =	strace $0x80000046;
	[dreg:$0x1] =	wrdreg $0xFFFFFFFF  }
0xa7: {  	s28 =	simm.s32 $_size_execute0_lowered;
	s3 =	sadd.s32 s3, s5;
	[dreg:$0x0] =	wrdreg $0x0  }
0xa8: {  	s5 =	sshll.u32 s28, $0x1;
	[dreg:$0x2] =	wrdreg s3  }
0xa9: {  	[dreg:$0x3] =	wrdreg s5  }
0xaa: {  	[dreg:$0x4] =	wrdreg $0xC0  }
0xab: {  	_ =	task [dreg:s7], $0x5FFFF  }
0xac: {  	[dreg:$0x1] =	wrdreg $0xFFFFFFFF  }
0xad: {  	[dreg:$0x0] =	wrdreg $0x60  }
0xae: {  	[dreg:$0x2] =	wrdreg s24  }
0xaf: {  	[dreg:$0x3] =	wrdreg s2  }
0xb0: {  	[dreg:$0x4] =	wrdreg $0x54000  }
0xb1: {  	[dreg:$0x5] =	wrdreg $0x9  }
0xb2: {  	_ =	task.clear_ibuf [dreg:s7], $0x6FFFF;
	_ =	strace $0x90000046  }
0xb3: {  	s29 =	simm.s32 $0x9;
	_ =	strace $0x80000048  }
0xb4: {  	_ =	swait.ge [sflag:s29], $0x1  }
0xb5: {  	[sflag:s29] =	ssyncadd.s32 $0xFFFFFFFF  }
0xb6: {  	_ =	strace $0x90000048  }
0xb7: {  	_ =	sfence  }
0xb8: {  	s30 =	sld [smem:$0x0];
	_ =	sdelay $0x2  }
0xb9: {  	s31 =	sshll.u32 s1, $0xD;
	s1 =	sshrl.u32 s1, $0x2  }
0xba: {  	s3 =	sand.u32 $0x4000, s31;
	s1 =	sadd.s32 s1, s30  }
0xbb: {  	s0 =	sor.u32 s3, s0;
	s1 =	sshll.u32 s1, $0x11  }
0xbc: {  	s0 =	sor.u32 s1, s0  }
0xbd: {  	s0 =	sadd.s32 $0x8F2B, s0  }
0xbe: {  	[sflag:s0] =	ssyncadd.remote.s32 $0x1  }
0xbf: {  	_ =	sfence.sel $0xFFFF  }
0xc0: {  	[dreg:$0x0] =	wrdreg $0xFFFFFFFF;
	(pc) =	sbr.abs _section_cstart, $3  }
0xc1: {  	[dreg:$0x1] =	wrdreg $0xFFFFFFFF  }
0xc2: {  	_ =	task.clear_ibuf [dreg:s7], $0x2FFFF;
	_ =	strace $0x9FFFFFFF  }
0xc3: {  	(tm) =	ssettm $0x7FFFFFFF  }
tec
execute0_lowered:
.L_overlay_start_1:
0x0: {  	(tag) =	ssettag $0x1  }
0x1: {  	s0 =	srdreg.scid  }
0x2: {  	s7 =	stileid.u32;
	s2 =	rddreg [dreg:$0x0]  }
0x3: {  	s3 =	rddreg [dreg:$0x2];
	s4 =	simm.s32 $0x0;
	s12 =	simm.s32 $0x2  }
0x4: {  	s13 =	simm.s32 $0x1400;
	s14 =	simm.s32 $0x7D;
	s9 =	simm.s32 $0xB80  }
0x5: {  	s10 =	simm.s32 $0xC00;
	s15 =	simm.s32 $0xC80;
	s16 =	simm.s32 $0xD00  }
0x6: {  	s17 =	simm.s32 $0xD80;
	s18 =	simm.s32 $0xE00;
	s19 =	simm.s32 $0xE80  }
0x7: {  	s20 =	simm.s32 $0xF00;
	s28 =	simm.s32 $0x1280;
	s29 =	simm.s32 $0x1300  }
0x8: {  	s30 =	simm.s32 $0x1380;
	s31 =	simm.s32 $0x1;
	s0 =	sand.u32 $0x1, s0  }
0x9: {  	s1 =	sshll.u32 s7, $0x1;
	s6 =	smul.u32 $0x14000, s7;
	[smem:$0x7FF] =	sst s4  }
0xa: {  	s21 =	smul.u32 $0x50000, s7;
	s8 =	sadd.s32 $0xCA00, s2;
	s24 =	sshll.u32 s7, $0x6  }
0xb: {  	s7 =	simm.s32 $0xA80;
	s1 =	sor.u32 s0, s1;
	s5 =	smul.u32 $0x140000, s0  }
0xc: {  	_ =	strace $0x80000047;
	s0 =	ssub.s32 $0x2, s0;
	[dreg:$0x4] =	wrdreg s8  }
0xd: {  	s8 =	simm.s32 $0xB00;
	s1 =	smul.u32 $0x2800, s1;
	s22 =	sshrl.u32 s0, $0x1  }
0xe: {  	s23 =	sshrl.u32 s21, $0x2;
	s21 =	simm.s32 $0xF80;
	s5 =	sadd.s32 s6, s5  }
0xf: {  	s0 =	ssub.s32 s0, s22;
	s6 =	sor.u32 $0x1C02, s24;
	s22 =	simm.s32 $0x1000  }
0x10: {  	s24 =	simm.s32 $0x1100;
	s1 =	sshrl.u32 s1, $0x3;
	s5 =	sshrl.u32 s5, $0x3  }
0x11: {  	s0 =	smax.u32 s0, $0x1;
	s1 =	sadd.s32 s1, s2;
	s2 =	sadd.s32 s5, s2  }
0x12: {  	s5 =	sadd.s32 s23, s3;
	[dreg:$0x6] =	wrdreg s0;
	s2 =	sadd.s32 $0xF200, s2  }
0x13: {  	s23 =	simm.s32 $0x1080;
	s25 =	sadd.s32 $0x2A00, s1;
	[dreg:$0x5] =	wrdreg s2  }
0x14: {  	s26 =	sadd.s32 $0x2C80, s1;
	s11 =	sshrl.u32 s5, $0x3;
	[dreg:$0x7] =	wrdreg s25  }
0x15: {  	s5 =	simm.s32 $0xA00;
	s1 =	simm.s32 $0x0;
	[dreg:$0x8] =	wrdreg s26  }
0x16: {  	s2 =	simm.s32 $0x980;
	s25 =	simm.s32 $0x1180;
	s26 =	simm.s32 $0x1200  }
.LBB2_1:
0x17: {  	s0 =	rddreg [dreg:$0x4]  }
0x18: {  	[spmem:s11], [sflag:s6] =	dma.local [hbm:s0], $0x2800  }
0x19: {  	_ =	swait.ge [sflag:s12], $0x2800  }
0x1a: {  	[sflag:s12] =	ssyncset.done $0x0  }
0x1b: {  	[sflag:s12] =	ssyncadd.s32 $0xFFFFD800  }
0x1c: {  	s0 =	rddreg [dreg:$0x1]  }
0x1d: {  	[tilespmem:s13], [sflag:$0x2] =	stream.linear.gather [hbm4b:s0+s4], $0x3E80, $0x38;
	[tilespmem:$0x19400] =	vst v63  }
0x1e: {  	_ =	swait.ge [sflag:s12], $0x3E80  }
0x1f: {  	[sflag:s12] =	ssyncset.done $0x0  }
0x20: {  	[sflag:s12] =	ssyncadd.s32 $0xFFFFC180  }
0x21: {  	[bflag:$0x0] =	sbarrier.arrive $0xFFFF  }
0x22: {  	s0 =	rddreg [dreg:$0x7]  }
0x23: {  	[tilespmem:s4], [sflag:$0x2] =	stream.linear.gather [hbm4b:s0+s4], $0x1400, $0x38;
	[tilespmem:$0x19400] =	vst v63  }
0x24: {  	_ =	swait.ge [sflag:s12], $0x1400  }
0x25: {  	[sflag:s12] =	ssyncset.done $0x0  }
0x26: {  	[sflag:s12] =	ssyncadd.s32 $0xFFFFEC00  }
0x27: {  	[spmem:s3] =	stream.indirect.scatter.add.f32 [tilespmem:s13], [sflag:$0x1], $0x80, s4, s14, $0xb8;
	[tilespmem:$0x19400] =	vst v63  }
0x28: {  	s0 =	simm.s32 $0x80  }
0x29: {  	[spmem:s3] =	stream.indirect.scatter.add.f32 [tilespmem:s13], [sflag:$0x1], $0x80, s0, s14, $0xb8;
	[tilespmem:$0x19400] =	vst v63  }
0x2a: {  	s0 =	simm.s32 $0x100  }
0x2b: {  	[spmem:s3] =	stream.indirect.scatter.add.f32 [tilespmem:s13], [sflag:$0x1], $0x80, s0, s14, $0xb8;
	[tilespmem:$0x19400] =	vst v63  }
0x2c: {  	s0 =	simm.s32 $0x180  }
0x2d: {  	[spmem:s3] =	stream.indirect.scatter.add.f32 [tilespmem:s13], [sflag:$0x1], $0x80, s0, s14, $0xb8;
	[tilespmem:$0x19400] =	vst v63  }
0x2e: {  	s0 =	simm.s32 $0x200  }
0x2f: {  	[spmem:s3] =	stream.indirect.scatter.add.f32 [tilespmem:s13], [sflag:$0x1], $0x80, s0, s14, $0xb8;
	[tilespmem:$0x19400] =	vst v63  }
0x30: {  	s0 =	simm.s32 $0x280  }
0x31: {  	[spmem:s3] =	stream.indirect.scatter.add.f32 [tilespmem:s13], [sflag:$0x1], $0x80, s0, s14, $0xb8;
	[tilespmem:$0x19400] =	vst v63  }
0x32: {  	s0 =	simm.s32 $0x300  }
0x33: {  	[spmem:s3] =	stream.indirect.scatter.add.f32 [tilespmem:s13], [sflag:$0x1], $0x80, s0, s14, $0xb8;
	[tilespmem:$0x19400] =	vst v63  }
0x34: {  	s0 =	simm.s32 $0x380  }
0x35: {  	[spmem:s3] =	stream.indirect.scatter.add.f32 [tilespmem:s13], [sflag:$0x1], $0x80, s0, s14, $0xb8;
	[tilespmem:$0x19400] =	vst v63  }
0x36: {  	s0 =	simm.s32 $0x400  }
0x37: {  	[spmem:s3] =	stream.indirect.scatter.add.f32 [tilespmem:s13], [sflag:$0x1], $0x80, s0, s14, $0xb8;
	[tilespmem:$0x19400] =	vst v63  }
0x38: {  	s0 =	simm.s32 $0x480  }
0x39: {  	[spmem:s3] =	stream.indirect.scatter.add.f32 [tilespmem:s13], [sflag:$0x1], $0x80, s0, s14, $0xb8;
	[tilespmem:$0x19400] =	vst v63  }
0x3a: {  	s0 =	simm.s32 $0x500  }
0x3b: {  	[spmem:s3] =	stream.indirect.scatter.add.f32 [tilespmem:s13], [sflag:$0x1], $0x80, s0, s14, $0xb8;
	[tilespmem:$0x19400] =	vst v63  }
0x3c: {  	s0 =	simm.s32 $0x580  }
0x3d: {  	[spmem:s3] =	stream.indirect.scatter.add.f32 [tilespmem:s13], [sflag:$0x1], $0x80, s0, s14, $0xb8;
	[tilespmem:$0x19400] =	vst v63  }
0x3e: {  	s0 =	simm.s32 $0x600  }
0x3f: {  	[spmem:s3] =	stream.indirect.scatter.add.f32 [tilespmem:s13], [sflag:$0x1], $0x80, s0, s14, $0xb8;
	[tilespmem:$0x19400] =	vst v63  }
0x40: {  	s0 =	simm.s32 $0x680  }
0x41: {  	[spmem:s3] =	stream.indirect.scatter.add.f32 [tilespmem:s13], [sflag:$0x1], $0x80, s0, s14, $0xb8;
	[tilespmem:$0x19400] =	vst v63  }
0x42: {  	s0 =	simm.s32 $0x700  }
0x43: {  	[spmem:s3] =	stream.indirect.scatter.add.f32 [tilespmem:s13], [sflag:$0x1], $0x80, s0, s14, $0xb8;
	[tilespmem:$0x19400] =	vst v63  }
0x44: {  	s0 =	simm.s32 $0x780  }
0x45: {  	[spmem:s3] =	stream.indirect.scatter.add.f32 [tilespmem:s13], [sflag:$0x1], $0x80, s0, s14, $0xb8;
	[tilespmem:$0x19400] =	vst v63  }
0x46: {  	s0 =	simm.s32 $0x800  }
0x47: {  	[spmem:s3] =	stream.indirect.scatter.add.f32 [tilespmem:s13], [sflag:$0x1], $0x80, s0, s14, $0xb8;
	[tilespmem:$0x19400] =	vst v63  }
0x48: {  	s0 =	simm.s32 $0x880  }
0x49: {  	[spmem:s3] =	stream.indirect.scatter.add.f32 [tilespmem:s13], [sflag:$0x1], $0x80, s0, s14, $0xb8;
	[tilespmem:$0x19400] =	vst v63  }
0x4a: {  	s0 =	simm.s32 $0x900  }
0x4b: {  	[spmem:s3] =	stream.indirect.scatter.add.f32 [tilespmem:s13], [sflag:$0x1], $0x80, s0, s14, $0xb8;
	[tilespmem:$0x19400] =	vst v63  }
0x4c: {  	_ = 	snop  }
0x4d: {  	[spmem:s3] =	stream.indirect.scatter.add.f32 [tilespmem:s13], [sflag:$0x1], $0x80, s2, s14, $0xb8;
	[tilespmem:$0x19400] =	vst v63  }
0x4e: {  	_ = 	snop  }
0x4f: {  	[spmem:s3] =	stream.indirect.scatter.add.f32 [tilespmem:s13], [sflag:$0x1], $0x80, s5, s14, $0xb8;
	[tilespmem:$0x19400] =	vst v63  }
0x50: {  	_ = 	snop  }
0x51: {  	[spmem:s3] =	stream.indirect.scatter.add.f32 [tilespmem:s13], [sflag:$0x1], $0x80, s7, s14, $0xb8;
	[tilespmem:$0x19400] =	vst v63  }
0x52: {  	_ = 	snop  }
0x53: {  	[spmem:s3] =	stream.indirect.scatter.add.f32 [tilespmem:s13], [sflag:$0x1], $0x80, s8, s14, $0xb8;
	[tilespmem:$0x19400] =	vst v63  }
0x54: {  	_ = 	snop  }
0x55: {  	[spmem:s3] =	stream.indirect.scatter.add.f32 [tilespmem:s13], [sflag:$0x1], $0x80, s9, s14, $0xb8;
	[tilespmem:$0x19400] =	vst v63  }
0x56: {  	_ = 	snop  }
0x57: {  	[spmem:s3] =	stream.indirect.scatter.add.f32 [tilespmem:s13], [sflag:$0x1], $0x80, s10, s14, $0xb8;
	[tilespmem:$0x19400] =	vst v63  }
0x58: {  	_ = 	snop  }
0x59: {  	[spmem:s3] =	stream.indirect.scatter.add.f32 [tilespmem:s13], [sflag:$0x1], $0x80, s15, s14, $0xb8;
	[tilespmem:$0x19400] =	vst v63  }
0x5a: {  	_ = 	snop  }
0x5b: {  	[spmem:s3] =	stream.indirect.scatter.add.f32 [tilespmem:s13], [sflag:$0x1], $0x80, s16, s14, $0xb8;
	[tilespmem:$0x19400] =	vst v63  }
0x5c: {  	_ = 	snop  }
0x5d: {  	[spmem:s3] =	stream.indirect.scatter.add.f32 [tilespmem:s13], [sflag:$0x1], $0x80, s17, s14, $0xb8;
	[tilespmem:$0x19400] =	vst v63  }
0x5e: {  	_ = 	snop  }
0x5f: {  	[spmem:s3] =	stream.indirect.scatter.add.f32 [tilespmem:s13], [sflag:$0x1], $0x80, s18, s14, $0xb8;
	[tilespmem:$0x19400] =	vst v63  }
0x60: {  	_ = 	snop  }
0x61: {  	[spmem:s3] =	stream.indirect.scatter.add.f32 [tilespmem:s13], [sflag:$0x1], $0x80, s19, s14, $0xb8;
	[tilespmem:$0x19400] =	vst v63  }
0x62: {  	_ = 	snop  }
0x63: {  	[spmem:s3] =	stream.indirect.scatter.add.f32 [tilespmem:s13], [sflag:$0x1], $0x80, s20, s14, $0xb8;
	[tilespmem:$0x19400] =	vst v63  }
0x64: {  	_ = 	snop  }
0x65: {  	[spmem:s3] =	stream.indirect.scatter.add.f32 [tilespmem:s13], [sflag:$0x1], $0x80, s21, s14, $0xb8;
	[tilespmem:$0x19400] =	vst v63  }
0x66: {  	_ = 	snop  }
0x67: {  	[spmem:s3] =	stream.indirect.scatter.add.f32 [tilespmem:s13], [sflag:$0x1], $0x80, s22, s14, $0xb8;
	[tilespmem:$0x19400] =	vst v63  }
0x68: {  	_ = 	snop  }
0x69: {  	[spmem:s3] =	stream.indirect.scatter.add.f32 [tilespmem:s13], [sflag:$0x1], $0x80, s23, s14, $0xb8;
	[tilespmem:$0x19400] =	vst v63  }
0x6a: {  	_ = 	snop  }
0x6b: {  	[spmem:s3] =	stream.indirect.scatter.add.f32 [tilespmem:s13], [sflag:$0x1], $0x80, s24, s14, $0xb8;
	[tilespmem:$0x19400] =	vst v63  }
0x6c: {  	_ = 	snop  }
0x6d: {  	[spmem:s3] =	stream.indirect.scatter.add.f32 [tilespmem:s13], [sflag:$0x1], $0x80, s25, s14, $0xb8;
	[tilespmem:$0x19400] =	vst v63  }
0x6e: {  	_ = 	snop  }
0x6f: {  	[spmem:s3] =	stream.indirect.scatter.add.f32 [tilespmem:s13], [sflag:$0x1], $0x80, s26, s14, $0xb8;
	[tilespmem:$0x19400] =	vst v63  }
0x70: {  	_ = 	snop  }
0x71: {  	[spmem:s3] =	stream.indirect.scatter.add.f32 [tilespmem:s13], [sflag:$0x1], $0x80, s28, s14, $0xb8;
	[tilespmem:$0x19400] =	vst v63  }
0x72: {  	_ = 	snop  }
0x73: {  	[spmem:s3] =	stream.indirect.scatter.add.f32 [tilespmem:s13], [sflag:$0x1], $0x80, s29, s14, $0xb8;
	[tilespmem:$0x19400] =	vst v63  }
0x74: {  	_ = 	snop  }
0x75: {  	[spmem:s3] =	stream.indirect.scatter.add.f32 [tilespmem:s13], [sflag:$0x1], $0x80, s30, s14, $0xb8;
	[tilespmem:$0x19400] =	vst v63  }
0x76: {  	_ =	swait.ge [sflag:s31], $0x3E80  }
0x77: {  	s0 =	simm.s32 $0x27;
	[sflag:s31] =	ssyncset.done $0x0  }
.LBB2_2:
0x78: {  	p0 =	sne.s32 s0, $0x1;
	s0 =	sadd.s32 $0xFFFFFFFF, s0;
	[sflag:s31] =	ssyncadd.s32 $0xFFFFC180  }
.Ltmp0:
0x79: {  	(pc) =	sbr.rel @p0 .LBB2_2-.Ltmp0, $3  }
0x7a: {  	_ =	sdelay $0x1  }
0x7b: {  	_ =	swait.ge [sflag:s31], $0x3E80  }
0x7c: {  	[sflag:s31] =	ssyncset.done $0x0  }
0x7d: {  	[sflag:s31] =	ssyncadd.s32 $0xFFFFC180;
	s0 =	rddreg [dreg:$0x8]  }
0x7e: {  	[tilespmem:s4], [sflag:$0x2] =	stream.linear.gather [hbm4b:s0+s4], $0x1400, $0x38;
	[tilespmem:$0x19400] =	vst v63  }
0x7f: {  	_ =	swait.ge [sflag:s12], $0x1400  }
0x80: {  	[sflag:s12] =	ssyncset.done $0x0  }
0x81: {  	[sflag:s12] =	ssyncadd.s32 $0xFFFFEC00  }
0x82: {  	[spmem:s3] =	stream.indirect.scatter.add.f32 [tilespmem:s13], [sflag:$0x1], $0x80, s4, s14, $0xb8;
	[tilespmem:$0x19400] =	vst v63  }
0x83: {  	s0 =	simm.s32 $0x80  }
0x84: {  	[spmem:s3] =	stream.indirect.scatter.add.f32 [tilespmem:s13], [sflag:$0x1], $0x80, s0, s14, $0xb8;
	[tilespmem:$0x19400] =	vst v63  }
0x85: {  	s0 =	simm.s32 $0x100  }
0x86: {  	[spmem:s3] =	stream.indirect.scatter.add.f32 [tilespmem:s13], [sflag:$0x1], $0x80, s0, s14, $0xb8;
	[tilespmem:$0x19400] =	vst v63  }
0x87: {  	s0 =	simm.s32 $0x180  }
0x88: {  	[spmem:s3] =	stream.indirect.scatter.add.f32 [tilespmem:s13], [sflag:$0x1], $0x80, s0, s14, $0xb8;
	[tilespmem:$0x19400] =	vst v63  }
0x89: {  	s0 =	simm.s32 $0x200  }
0x8a: {  	[spmem:s3] =	stream.indirect.scatter.add.f32 [tilespmem:s13], [sflag:$0x1], $0x80, s0, s14, $0xb8;
	[tilespmem:$0x19400] =	vst v63  }
0x8b: {  	s0 =	simm.s32 $0x280  }
0x8c: {  	[spmem:s3] =	stream.indirect.scatter.add.f32 [tilespmem:s13], [sflag:$0x1], $0x80, s0, s14, $0xb8;
	[tilespmem:$0x19400] =	vst v63  }
0x8d: {  	s0 =	simm.s32 $0x300  }
0x8e: {  	[spmem:s3] =	stream.indirect.scatter.add.f32 [tilespmem:s13], [sflag:$0x1], $0x80, s0, s14, $0xb8;
	[tilespmem:$0x19400] =	vst v63  }
0x8f: {  	s0 =	simm.s32 $0x380  }
0x90: {  	[spmem:s3] =	stream.indirect.scatter.add.f32 [tilespmem:s13], [sflag:$0x1], $0x80, s0, s14, $0xb8;
	[tilespmem:$0x19400] =	vst v63  }
0x91: {  	s0 =	simm.s32 $0x400  }
0x92: {  	[spmem:s3] =	stream.indirect.scatter.add.f32 [tilespmem:s13], [sflag:$0x1], $0x80, s0, s14, $0xb8;
	[tilespmem:$0x19400] =	vst v63  }
0x93: {  	s0 =	simm.s32 $0x480  }
0x94: {  	[spmem:s3] =	stream.indirect.scatter.add.f32 [tilespmem:s13], [sflag:$0x1], $0x80, s0, s14, $0xb8;
	[tilespmem:$0x19400] =	vst v63  }
0x95: {  	s0 =	simm.s32 $0x500  }
0x96: {  	[spmem:s3] =	stream.indirect.scatter.add.f32 [tilespmem:s13], [sflag:$0x1], $0x80, s0, s14, $0xb8;
	[tilespmem:$0x19400] =	vst v63  }
0x97: {  	s0 =	simm.s32 $0x580  }
0x98: {  	[spmem:s3] =	stream.indirect.scatter.add.f32 [tilespmem:s13], [sflag:$0x1], $0x80, s0, s14, $0xb8;
	[tilespmem:$0x19400] =	vst v63  }
0x99: {  	s0 =	simm.s32 $0x600  }
0x9a: {  	[spmem:s3] =	stream.indirect.scatter.add.f32 [tilespmem:s13], [sflag:$0x1], $0x80, s0, s14, $0xb8;
	[tilespmem:$0x19400] =	vst v63  }
0x9b: {  	s0 =	simm.s32 $0x680  }
0x9c: {  	[spmem:s3] =	stream.indirect.scatter.add.f32 [tilespmem:s13], [sflag:$0x1], $0x80, s0, s14, $0xb8;
	[tilespmem:$0x19400] =	vst v63  }
0x9d: {  	s0 =	simm.s32 $0x700  }
0x9e: {  	[spmem:s3] =	stream.indirect.scatter.add.f32 [tilespmem:s13], [sflag:$0x1], $0x80, s0, s14, $0xb8;
	[tilespmem:$0x19400] =	vst v63  }
0x9f: {  	s0 =	simm.s32 $0x780  }
0xa0: {  	[spmem:s3] =	stream.indirect.scatter.add.f32 [tilespmem:s13], [sflag:$0x1], $0x80, s0, s14, $0xb8;
	[tilespmem:$0x19400] =	vst v63  }
0xa1: {  	s0 =	simm.s32 $0x800  }
0xa2: {  	[spmem:s3] =	stream.indirect.scatter.add.f32 [tilespmem:s13], [sflag:$0x1], $0x80, s0, s14, $0xb8;
	[tilespmem:$0x19400] =	vst v63  }
0xa3: {  	s0 =	simm.s32 $0x880  }
0xa4: {  	[spmem:s3] =	stream.indirect.scatter.add.f32 [tilespmem:s13], [sflag:$0x1], $0x80, s0, s14, $0xb8;
	[tilespmem:$0x19400] =	vst v63  }
0xa5: {  	s0 =	simm.s32 $0x900  }
0xa6: {  	[spmem:s3] =	stream.indirect.scatter.add.f32 [tilespmem:s13], [sflag:$0x1], $0x80, s0, s14, $0xb8;
	[tilespmem:$0x19400] =	vst v63  }
0xa7: {  	_ = 	snop  }
0xa8: {  	[spmem:s3] =	stream.indirect.scatter.add.f32 [tilespmem:s13], [sflag:$0x1], $0x80, s2, s14, $0xb8;
	[tilespmem:$0x19400] =	vst v63  }
0xa9: {  	_ = 	snop  }
0xaa: {  	[spmem:s3] =	stream.indirect.scatter.add.f32 [tilespmem:s13], [sflag:$0x1], $0x80, s5, s14, $0xb8;
	[tilespmem:$0x19400] =	vst v63  }
0xab: {  	_ = 	snop  }
0xac: {  	[spmem:s3] =	stream.indirect.scatter.add.f32 [tilespmem:s13], [sflag:$0x1], $0x80, s7, s14, $0xb8;
	[tilespmem:$0x19400] =	vst v63  }
0xad: {  	_ = 	snop  }
0xae: {  	[spmem:s3] =	stream.indirect.scatter.add.f32 [tilespmem:s13], [sflag:$0x1], $0x80, s8, s14, $0xb8;
	[tilespmem:$0x19400] =	vst v63  }
0xaf: {  	_ = 	snop  }
0xb0: {  	[spmem:s3] =	stream.indirect.scatter.add.f32 [tilespmem:s13], [sflag:$0x1], $0x80, s9, s14, $0xb8;
	[tilespmem:$0x19400] =	vst v63  }
0xb1: {  	_ = 	snop  }
0xb2: {  	[spmem:s3] =	stream.indirect.scatter.add.f32 [tilespmem:s13], [sflag:$0x1], $0x80, s10, s14, $0xb8;
	[tilespmem:$0x19400] =	vst v63  }
0xb3: {  	_ = 	snop  }
0xb4: {  	[spmem:s3] =	stream.indirect.scatter.add.f32 [tilespmem:s13], [sflag:$0x1], $0x80, s15, s14, $0xb8;
	[tilespmem:$0x19400] =	vst v63  }
0xb5: {  	_ = 	snop  }
0xb6: {  	[spmem:s3] =	stream.indirect.scatter.add.f32 [tilespmem:s13], [sflag:$0x1], $0x80, s16, s14, $0xb8;
	[tilespmem:$0x19400] =	vst v63  }
0xb7: {  	_ = 	snop  }
0xb8: {  	[spmem:s3] =	stream.indirect.scatter.add.f32 [tilespmem:s13], [sflag:$0x1], $0x80, s17, s14, $0xb8;
	[tilespmem:$0x19400] =	vst v63  }
0xb9: {  	_ = 	snop  }
0xba: {  	[spmem:s3] =	stream.indirect.scatter.add.f32 [tilespmem:s13], [sflag:$0x1], $0x80, s18, s14, $0xb8;
	[tilespmem:$0x19400] =	vst v63  }
0xbb: {  	_ = 	snop  }
0xbc: {  	[spmem:s3] =	stream.indirect.scatter.add.f32 [tilespmem:s13], [sflag:$0x1], $0x80, s19, s14, $0xb8;
	[tilespmem:$0x19400] =	vst v63  }
0xbd: {  	_ = 	snop  }
0xbe: {  	[spmem:s3] =	stream.indirect.scatter.add.f32 [tilespmem:s13], [sflag:$0x1], $0x80, s20, s14, $0xb8;
	[tilespmem:$0x19400] =	vst v63  }
0xbf: {  	_ = 	snop  }
0xc0: {  	[spmem:s3] =	stream.indirect.scatter.add.f32 [tilespmem:s13], [sflag:$0x1], $0x80, s21, s14, $0xb8;
	[tilespmem:$0x19400] =	vst v63  }
0xc1: {  	_ = 	snop  }
0xc2: {  	[spmem:s3] =	stream.indirect.scatter.add.f32 [tilespmem:s13], [sflag:$0x1], $0x80, s22, s14, $0xb8;
	[tilespmem:$0x19400] =	vst v63  }
0xc3: {  	_ = 	snop  }
0xc4: {  	[spmem:s3] =	stream.indirect.scatter.add.f32 [tilespmem:s13], [sflag:$0x1], $0x80, s23, s14, $0xb8;
	[tilespmem:$0x19400] =	vst v63  }
0xc5: {  	_ = 	snop  }
0xc6: {  	[spmem:s3] =	stream.indirect.scatter.add.f32 [tilespmem:s13], [sflag:$0x1], $0x80, s24, s14, $0xb8;
	[tilespmem:$0x19400] =	vst v63  }
0xc7: {  	_ = 	snop  }
0xc8: {  	[spmem:s3] =	stream.indirect.scatter.add.f32 [tilespmem:s13], [sflag:$0x1], $0x80, s25, s14, $0xb8;
	[tilespmem:$0x19400] =	vst v63  }
0xc9: {  	_ = 	snop  }
0xca: {  	[spmem:s3] =	stream.indirect.scatter.add.f32 [tilespmem:s13], [sflag:$0x1], $0x80, s26, s14, $0xb8;
	[tilespmem:$0x19400] =	vst v63  }
0xcb: {  	_ = 	snop  }
0xcc: {  	[spmem:s3] =	stream.indirect.scatter.add.f32 [tilespmem:s13], [sflag:$0x1], $0x80, s28, s14, $0xb8;
	[tilespmem:$0x19400] =	vst v63  }
0xcd: {  	_ = 	snop  }
0xce: {  	[spmem:s3] =	stream.indirect.scatter.add.f32 [tilespmem:s13], [sflag:$0x1], $0x80, s29, s14, $0xb8;
	[tilespmem:$0x19400] =	vst v63  }
0xcf: {  	_ = 	snop  }
0xd0: {  	[spmem:s3] =	stream.indirect.scatter.add.f32 [tilespmem:s13], [sflag:$0x1], $0x80, s30, s14, $0xb8;
	[tilespmem:$0x19400] =	vst v63  }
0xd1: {  	_ =	swait.ge [sflag:s31], $0x3E80  }
0xd2: {  	s0 =	simm.s32 $0x27;
	[sflag:s31] =	ssyncset.done $0x0  }
.LBB2_4:
0xd3: {  	p0 =	sne.s32 s0, $0x1;
	s0 =	sadd.s32 $0xFFFFFFFF, s0;
	[sflag:s31] =	ssyncadd.s32 $0xFFFFC180  }
.Ltmp1:
0xd4: {  	(pc) =	sbr.rel @p0 .LBB2_4-.Ltmp1, $3  }
0xd5: {  	_ =	sdelay $0x1  }
0xd6: {  	_ =	swait.ge [sflag:s31], $0x3E80  }
0xd7: {  	[sflag:s31] =	ssyncset.done $0x0  }
0xd8: {  	[sflag:s31] =	ssyncadd.s32 $0xFFFFC180  }
0xd9: {  	[bflag:$0x0] =	sbarrier.arrive $0xFFFF  }
0xda: {  	s0 =	rddreg [dreg:$0x5]  }
0xdb: {  	[hbm:s0], [sflag:s6] =	dma.local [spmem:s11], $0x2800  }
0xdc: {  	_ =	swait.ge [sflag:s12], $0x2800  }
0xdd: {  	s1 =	sadd.s32 $0x1, s1;
	s0 =	rddreg [dreg:$0x6]  }
0xde: {  	p0 =	sne.s32 s1, s0  }
.Ltmp2:
0xdf: {  	_ = 	snop;
	(pc) =	sbr.rel @p0 .LBB2_1-.Ltmp2, $3  }
0xe0: {  	_ =	sdelay $0x1  }
0xe1: {  	[sflag:s12] =	ssyncset.done $0x0  }
0xe2: {  	[sflag:s12] =	ssyncadd.s32 $0xFFFFD800  }
0xe3: {  	_ =	sfence.sel $0x180000  }
0xe4: {  	[bflag:$0x0] =	sbarrier.arrive $0xFFFF  }
0xe5: {  	_ =	strace $0x90000047  }
0xe6: {  	s0 =	stileid.u32;
	[bflag:$0x2] =	sbarrier.arrive $0xFFFF  }
0xe7: {  	p0 =	sne.s32 s0, $0x0;
	s0 =	rddreg [dreg:$0x3]  }
0xe8: {  	s0 =	sadd.s32 @!p0 $0x100000, s0  }
0xe9: {  	[sflag:s0] =	ssyncadd.tile.s32 @!p0 $0x1;
	_ =	shalt  }
.Lfunc_end2:
_tile_overlayer_lowered:
.L_overlay_start_2:
0xea: {  	(tag) =	ssettag $0x2  }
0xeb: {  	s0 =	rddreg [dreg:$0x0];
	s2 =	stileid.u32  }
0xec: {  	s1 =	rddreg [dreg:$0x1];
	p0 =	sne.s32 s2, $0x0  }
0xed: {  	s3 =	rddreg [dreg:$0x2];
	[bflag:$0x3] =	sbarrier.arrive $0xFFFF;
	s2 =	simm.s32 @!p0 $0x1C02  }
0xee: {  	[timem:s3], [sflag:s2] =	dma.local @!p0 [hbm:s0], s1  }
0xef: {  	s0 =	simm.s32 @!p0 $0x2  }
0xf0: {  	_ =	swait.ge @!p0 [sflag:s0], s1  }
0xf1: {  	s1 =	ssub.s32 @!p0 $0x0, s1;
	[sflag:s0] =	ssyncset.done @!p0 $0x0  }
0xf2: {  	[sflag:s0] =	ssyncadd.s32 @!p0 s1  }
0xf3: {  	[bflag:$0x3] =	sbarrier.arrive $0xFFFF  }
0xf4: {  	_ =	shalt  }

</sc_bundles>
